<compile_context>
chip_gen: v7x
topology: tpu7x:2x2x1
jax: 0.10.2.dev20260603
libtpu: 0.0.44.dev20260713+nightly
codegen_flags: <defaults>
</compile_context>

<pallas_src>
import functools

import jax
import jax.numpy as jnp
from jax.experimental import pallas as pl
from jax.experimental.pallas import tpu as pltpu
from jax.experimental.pallas import tpu_sc as plsc

_TN = 2000


_WT = 128


def _sc_gather(table, idx):
    S = idx.shape[0]
    info = plsc.get_sparse_core_info()
    nw = info.num_cores * info.num_subcores
    per_w = S // nw
    ch = 400
    assert S % nw == 0 and per_w % ch == 0 and per_w % 8 == 0 and ch % 8 == 0
    n_it = per_w // ch
    mesh = plsc.VectorSubcoreMesh(core_axis_name="c", subcore_axis_name="s")

    @functools.partial(
        pl.kernel,
        mesh=mesh,
        out_type=jax.ShapeDtypeStruct((S, _WT), jnp.float32),
        scratch_types=[
            pltpu.VMEM((ch,), jnp.int32),
            pltpu.VMEM((ch, _WT), jnp.float32),
            pltpu.SemaphoreType.DMA,
        ],
    )
    def gk(idx_hbm, table_hbm, out_hbm, idx_v, rows_v, sem):
        wid = jax.lax.axis_index("s") * info.num_cores + jax.lax.axis_index("c")
        base0 = wid * per_w

        def body(i, carry):
            base = base0 + i * ch
            pltpu.sync_copy(idx_hbm.at[pl.ds(base, ch)], idx_v)
            pltpu.async_copy(table_hbm.at[idx_v], rows_v, sem).wait()
            pltpu.sync_copy(rows_v, out_hbm.at[pl.ds(base, ch)])
            return carry

        jax.lax.fori_loop(0, n_it, body, 0)

    return gk(idx, table)


def _affine_from(p, mu, sig):
    hi = jax.lax.Precision.HIGHEST
    w = p["W"]
    mean_y = jnp.dot(w, mu.T, precision=hi)[:, 0]
    var_y = jnp.sum(jnp.dot(w, sig, precision=hi) * w, axis=1)
    s = p["g"] / jnp.sqrt(var_y + 1e-5)
    at = (w * s[:, None]).T
    c = (p["b"] - s * mean_y)[None, :]
    return at, c


def _bn_affine(p, sx, sxx, count):
    hi = jax.lax.Precision.HIGHEST
    mu = sx / count
    sig = sxx / count - jnp.dot(mu.T, mu, precision=hi)
    return _affine_from(p, mu, sig)


def _stats(x):
    r, c = x.shape
    t_n = r // _TN

    def kfn(x_ref, sx_ref, sxx_ref, accv, accm):
        t = pl.program_id(0)

        @pl.when(t == 0)
        def _init():
            accv[...] = jnp.zeros_like(accv)
            accm[...] = jnp.zeros_like(accm)

        xb = x_ref[...]
        accv[...] += jnp.sum(xb, axis=0, keepdims=True)
        accm[...] += jax.lax.dot_general(
            xb, xb, (((0,), (0,)), ((), ())),
            preferred_element_type=jnp.float32,
            precision=jax.lax.Precision.HIGHEST)

        @pl.when(t == t_n - 1)
        def _fin():
            sx_ref[...] = accv[...]
            sxx_ref[...] = accm[...]

    return pl.pallas_call(
        kfn,
        grid=(t_n,),
        in_specs=[pl.BlockSpec((_TN, c), lambda t: (t, 0))],
        out_specs=[pl.BlockSpec((1, c), lambda t: (0, 0)),
                   pl.BlockSpec((c, c), lambda t: (0, 0))],
        out_shape=[jax.ShapeDtypeStruct((1, c), jnp.float32),
                   jax.ShapeDtypeStruct((c, c), jnp.float32)],
        scratch_shapes=[pltpu.VMEM((1, c), jnp.float32),
                        pltpu.VMEM((c, c), jnp.float32)],
    )(x)


def _cstats(x, mu):
    r, c = x.shape
    t_n = r // _TN

    def kfn(x_ref, m_ref, sxx_ref, accm):
        t = pl.program_id(0)

        @pl.when(t == 0)
        def _init():
            accm[...] = jnp.zeros_like(accm)

        xb = x_ref[...] - m_ref[...]
        accm[...] += jax.lax.dot_general(
            xb, xb, (((0,), (0,)), ((), ())),
            preferred_element_type=jnp.float32,
            precision=jax.lax.Precision.HIGHEST)

        @pl.when(t == t_n - 1)
        def _fin():
            sxx_ref[...] = accm[...]

    return pl.pallas_call(
        kfn,
        grid=(t_n,),
        in_specs=[pl.BlockSpec((_TN, c), lambda t: (t, 0)),
                  pl.BlockSpec((1, c), lambda t: (0, 0))],
        out_specs=pl.BlockSpec((c, c), lambda t: (0, 0)),
        out_shape=jax.ShapeDtypeStruct((c, c), jnp.float32),
        scratch_shapes=[pltpu.VMEM((c, c), jnp.float32)],
    )(x, mu)


def _centered_moments(x):
    r = x.shape[0]
    sx, _ = _stats(x)
    mu = sx / r
    sig = _cstats(x, mu) / r
    return mu, sig


def _build_table(feat, xyz, a2t, c2):
    r, d_in = feat.shape
    dm = a2t.shape[1]
    d_tab = _WT
    pad = d_tab - 3 - dm
    t_n = r // _TN

    def kfn(f_ref, x_ref, a_ref, c_ref, o_ref):
        fpc = jnp.maximum(
            jnp.dot(f_ref[...], a_ref[...],
                    preferred_element_type=jnp.float32,
            precision=jax.lax.Precision.HIGHEST) + c_ref[...], 0.0)
        o_ref[...] = jnp.concatenate(
            [x_ref[...], fpc, jnp.zeros((_TN, pad), jnp.float32)], axis=1)

    return pl.pallas_call(
        kfn,
        grid=(t_n,),
        in_specs=[pl.BlockSpec((_TN, d_in), lambda t: (t, 0)),
                  pl.BlockSpec((_TN, 3), lambda t: (t, 0)),
                  pl.BlockSpec((d_in, dm), lambda t: (0, 0)),
                  pl.BlockSpec((1, dm), lambda t: (0, 0))],
        out_specs=pl.BlockSpec((_TN, d_tab), lambda t: (t, 0)),
        out_shape=jax.ShapeDtypeStruct((r, d_tab), jnp.float32),
    )(feat, xyz, a2t, c2)


def _enc(g, xyzb):
    nx = g[:, 0:3]
    rel = xyzb - nx
    dis = jnp.sqrt(jnp.sum(rel * rel, axis=1, keepdims=True))
    return jnp.concatenate([dis, rel, xyzb, nx], axis=1)


def _enc_stats(g3, xyz):
    k_n, r, d_tab = g3.shape
    t_n = r // _TN

    def kfn(g_ref, x_ref, sx_ref, sxx_ref, accv, accm):
        t = pl.program_id(0)
        k = pl.program_id(1)

        @pl.when(jnp.logical_and(t == 0, k == 0))
        def _init():
            accv[...] = jnp.zeros_like(accv)
            accm[...] = jnp.zeros_like(accm)

        enc = _enc(g_ref[0], x_ref[...])
        accv[...] += jnp.sum(enc, axis=0, keepdims=True)
        accm[...] += jax.lax.dot_general(
            enc, enc, (((0,), (0,)), ((), ())),
            preferred_element_type=jnp.float32,
            precision=jax.lax.Precision.HIGHEST)

        @pl.when(jnp.logical_and(t == t_n - 1, k == k_n - 1))
        def _fin():
            sx_ref[...] = accv[...]
            sxx_ref[...] = accm[...]

    return pl.pallas_call(
        kfn,
        grid=(t_n, k_n),
        in_specs=[pl.BlockSpec((1, _TN, d_tab), lambda t, k: (k, t, 0)),
                  pl.BlockSpec((_TN, 3), lambda t, k: (t, 0))],
        out_specs=[pl.BlockSpec((1, 10), lambda t, k: (0, 0)),
                   pl.BlockSpec((10, 10), lambda t, k: (0, 0))],
        out_shape=[jax.ShapeDtypeStruct((1, 10), jnp.float32),
                   jax.ShapeDtypeStruct((10, 10), jnp.float32)],
        scratch_shapes=[pltpu.VMEM((1, 10), jnp.float32),
                        pltpu.VMEM((10, 10), jnp.float32)],
    )(g3, xyz)


def _cc_stats(g3, xyz, a1t, c1, dm):
    k_n, r, d_tab = g3.shape
    t_n = r // _TN
    d2 = 2 * dm

    def kfn(g_ref, x_ref, a1_ref, c1_ref, sx_ref, sxx_ref, accv, accm):
        t = pl.program_id(0)
        k = pl.program_id(1)

        @pl.when(jnp.logical_and(t == 0, k == 0))
        def _init():
            accv[...] = jnp.zeros_like(accv)
            accm[...] = jnp.zeros_like(accm)

        g = g_ref[0]
        enc = _enc(g, x_ref[...])
        fxyz = jnp.maximum(
            jnp.dot(enc, a1_ref[...],
                    preferred_element_type=jnp.float32,
            precision=jax.lax.Precision.HIGHEST) + c1_ref[...], 0.0)
        cc = jnp.concatenate([g[:, 3:3 + dm], fxyz], axis=1)
        accv[...] += jnp.sum(cc, axis=0, keepdims=True)
        accm[...] += jax.lax.dot_general(
            cc, cc, (((0,), (0,)), ((), ())),
            preferred_element_type=jnp.float32,
            precision=jax.lax.Precision.HIGHEST)

        @pl.when(jnp.logical_and(t == t_n - 1, k == k_n - 1))
        def _fin():
            sx_ref[...] = accv[...]
            sxx_ref[...] = accm[...]

    return pl.pallas_call(
        kfn,
        grid=(t_n, k_n),
        in_specs=[pl.BlockSpec((1, _TN, d_tab), lambda t, k: (k, t, 0)),
                  pl.BlockSpec((_TN, 3), lambda t, k: (t, 0)),
                  pl.BlockSpec((10, dm), lambda t, k: (0, 0)),
                  pl.BlockSpec((1, dm), lambda t, k: (0, 0))],
        out_specs=[pl.BlockSpec((1, d2), lambda t, k: (0, 0)),
                   pl.BlockSpec((d2, d2), lambda t, k: (0, 0))],
        out_shape=[jax.ShapeDtypeStruct((1, d2), jnp.float32),
                   jax.ShapeDtypeStruct((d2, d2), jnp.float32)],
        scratch_shapes=[pltpu.VMEM((1, d2), jnp.float32),
                        pltpu.VMEM((d2, d2), jnp.float32)],
    )(g3, xyz, a1t, c1)


def _attention(g3, xyz, a1t, c1, a3t, c3, fcw, fcb, dm):
    k_n, r, d_tab = g3.shape
    t_n = r // _TN
    d2 = 2 * dm

    def kfn(g_ref, x_ref, a1_ref, c1_ref, a3_ref, c3_ref, fw_ref, fb_ref,
            fa_ref, sx_ref, sxx_ref, smax, ssum, accv, accm):
        t = pl.program_id(0)
        k = pl.program_id(1)

        @pl.when(jnp.logical_and(t == 0, k == 0))
        def _init():
            accv[...] = jnp.zeros_like(accv)
            accm[...] = jnp.zeros_like(accm)

        g = g_ref[0]
        enc = _enc(g, x_ref[...])
        fxyz = jnp.maximum(
            jnp.dot(enc, a1_ref[...],
                    preferred_element_type=jnp.float32,
            precision=jax.lax.Precision.HIGHEST) + c1_ref[...], 0.0)
        cc = jnp.concatenate([g[:, 3:3 + dm], fxyz], axis=1)
        f3 = jnp.maximum(
            jnp.dot(cc, a3_ref[...],
                    preferred_element_type=jnp.float32,
            precision=jax.lax.Precision.HIGHEST) + c3_ref[...], 0.0)
        wk = fw_ref[0, k]

        @pl.when(k == 0)
        def _first():
            smax[...] = f3
            ssum[...] = f3 * wk

        @pl.when(k > 0)
        def _rest():
            smax[...] = jnp.maximum(smax[...], f3)
            ssum[...] += f3 * wk

        @pl.when(k == k_n - 1)
        def _pool():
            score = ssum[...] + fb_ref[0, 0]
            m = jnp.max(score, axis=1, keepdims=True)
            e = jnp.exp(score - m)
            soft = e / jnp.sum(e, axis=1, keepdims=True)
            fa = smax[...] * (1.0 + soft)
            fa_ref[...] = fa
            accv[...] += jnp.sum(fa, axis=0, keepdims=True)
            accm[...] += jax.lax.dot_general(
                fa, fa, (((0,), (0,)), ((), ())),
                preferred_element_type=jnp.float32,
            precision=jax.lax.Precision.HIGHEST)

        @pl.when(jnp.logical_and(t == t_n - 1, k == k_n - 1))
        def _fin():
            sx_ref[...] = accv[...]
            sxx_ref[...] = accm[...]

    return pl.pallas_call(
        kfn,
        grid=(t_n, k_n),
        in_specs=[pl.BlockSpec((1, _TN, d_tab), lambda t, k: (k, t, 0)),
                  pl.BlockSpec((_TN, 3), lambda t, k: (t, 0)),
                  pl.BlockSpec((10, dm), lambda t, k: (0, 0)),
                  pl.BlockSpec((1, dm), lambda t, k: (0, 0)),
                  pl.BlockSpec((d2, dm), lambda t, k: (0, 0)),
                  pl.BlockSpec((1, dm), lambda t, k: (0, 0)),
                  pl.BlockSpec(memory_space=pltpu.SMEM),
                  pl.BlockSpec(memory_space=pltpu.SMEM)],
        out_specs=[pl.BlockSpec((_TN, dm), lambda t, k: (t, 0)),
                   pl.BlockSpec((1, dm), lambda t, k: (0, 0)),
                   pl.BlockSpec((dm, dm), lambda t, k: (0, 0))],
        out_shape=[jax.ShapeDtypeStruct((r, dm), jnp.float32),
                   jax.ShapeDtypeStruct((1, dm), jnp.float32),
                   jax.ShapeDtypeStruct((dm, dm), jnp.float32)],
        scratch_shapes=[pltpu.VMEM((_TN, dm), jnp.float32),
                        pltpu.VMEM((_TN, dm), jnp.float32),
                        pltpu.VMEM((1, dm), jnp.float32),
                        pltpu.VMEM((dm, dm), jnp.float32)],
    )(g3, xyz, a1t, c1, a3t, c3, fcw, fcb)


def _final(fa, feat, a4t, c4, asct, csc, d_out):
    r, dm = fa.shape
    d_in = feat.shape[1]
    t_n = r // _TN

    def kfn(fa_ref, f_ref, a4_ref, c4_ref, as_ref, cs_ref,
            o_ref, sx_ref, sxx_ref, accv, accm):
        t = pl.program_id(0)

        @pl.when(t == 0)
        def _init():
            accv[...] = jnp.zeros_like(accv)
            accm[...] = jnp.zeros_like(accm)

        y = jnp.maximum(
            jnp.dot(fa_ref[...], a4_ref[...],
                    preferred_element_type=jnp.float32,
            precision=jax.lax.Precision.HIGHEST) + c4_ref[...], 0.0)
        y += jnp.maximum(
            jnp.dot(f_ref[...], as_ref[...],
                    preferred_element_type=jnp.float32,
            precision=jax.lax.Precision.HIGHEST) + cs_ref[...], 0.0)
        o_ref[...] = y
        accv[...] += jnp.sum(y, axis=0, keepdims=True)
        accm[...] += jax.lax.dot_general(
            y, y, (((0,), (0,)), ((), ())),
            preferred_element_type=jnp.float32,
            precision=jax.lax.Precision.HIGHEST)

        @pl.when(t == t_n - 1)
        def _fin():
            sx_ref[...] = accv[...]
            sxx_ref[...] = accm[...]

    return pl.pallas_call(
        kfn,
        grid=(t_n,),
        in_specs=[pl.BlockSpec((_TN, dm), lambda t: (t, 0)),
                  pl.BlockSpec((_TN, d_in), lambda t: (t, 0)),
                  pl.BlockSpec((dm, d_out), lambda t: (0, 0)),
                  pl.BlockSpec((1, d_out), lambda t: (0, 0)),
                  pl.BlockSpec((d_in, d_out), lambda t: (0, 0)),
                  pl.BlockSpec((1, d_out), lambda t: (0, 0))],
        out_specs=[pl.BlockSpec((_TN, d_out), lambda t: (t, 0)),
                   pl.BlockSpec((1, d_out), lambda t: (0, 0)),
                   pl.BlockSpec((d_out, d_out), lambda t: (0, 0))],
        out_shape=[jax.ShapeDtypeStruct((r, d_out), jnp.float32),
                   jax.ShapeDtypeStruct((1, d_out), jnp.float32),
                   jax.ShapeDtypeStruct((d_out, d_out), jnp.float32)],
        scratch_shapes=[pltpu.VMEM((1, d_out), jnp.float32),
                        pltpu.VMEM((d_out, d_out), jnp.float32)],
    )(fa, feat, a4t, c4, asct, csc)


def _block(p, feat, xyz, idx_flat, dm, d_out):
    bn = feat.shape[0]
    s = idx_flat.shape[0]
    fmu, fsig = _centered_moments(feat)
    a2t, c2 = _affine_from(p["mlp2"], fmu, fsig)
    asct, csc = _affine_from(p["shortcut"], fmu, fsig)
    table = _build_table(feat, xyz, a2t, c2)
    g = _sc_gather(table, idx_flat)
    g3 = g.reshape(s // bn, bn, _WT)
    esx, esxx = _enc_stats(g3, xyz)
    a1t, c1 = _bn_affine(p["mlp1"], esx, esxx, s)
    csx, csxx = _cc_stats(g3, xyz, a1t, c1, dm)
    a3t, c3 = _bn_affine(p["mlp3"], csx, csxx, s)
    fcw = p["fc_w"].reshape(1, -1)
    fcb = p["fc_b"].reshape(1, 1)
    fa, _, _ = _attention(g3, xyz, a1t, c1, a3t, c3, fcw, fcb, dm)
    amu, asig = _centered_moments(fa)
    a4t, c4 = _affine_from(p["mlp4"], amu, asig)
    out, _, _ = _final(fa, feat, a4t, c4, asct, csc, d_out)
    return out


def kernel(feature, xyz, neigh_idx, params):
    b, d_in, n = feature.shape[0], feature.shape[1], feature.shape[2]
    k_n = neigh_idx.shape[-1]
    bn = b * n
    feat = feature[..., 0].transpose(0, 2, 1).reshape(bn, d_in)
    xyzf = xyz.reshape(bn, 3)
    offs = (jnp.arange(b, dtype=jnp.int32) * n)[:, None, None]
    idxg = neigh_idx.astype(jnp.int32) + offs
    idx_flat = jnp.transpose(idxg, (2, 0, 1)).reshape(k_n * bn)
    out1 = _block(params["block1"], feat, xyzf, idx_flat, dm=8, d_out=32)
    out2 = _block(params["block2"], out1, xyzf, idx_flat, dm=16, d_out=64)
    d_out = out2.shape[1]
    return out2.reshape(b, n, d_out).transpose(0, 2, 1)[..., None]

# --- scband reference (transcript-rebuilt; emitter-appended) ---
"""Pipeline reference for scband-lfa-72464688218288 (READ-ONLY COPY).

The authoritative reference and input builder live on the scoring server;
editing this copy changes nothing except your own understanding.
"""

import jax, jax.numpy as jnp
import numpy as np

B, N, K_N = 2, 50000, 16
D_IN, D_OUT, M = 16, 32, 4


def _conv_params(key, cin, cout):
    return {
        "W": jax.random.normal(key, (cout, cin), jnp.float32) * (1.0 / np.sqrt(cin)),
        "g": jnp.ones((cout,), jnp.float32),
        "b": jnp.zeros((cout,), jnp.float32),
    }


def _block_params(key, d_in, d_out, m, k_n):
    dm = d_out // m
    ks = jax.random.split(key, 6)
    return {
        "mlp1": _conv_params(ks[0], 10, dm),
        "mlp2": _conv_params(ks[1], d_in, dm),
        "mlp3": _conv_params(ks[2], 2 * dm, dm),
        "fc_w": jax.random.normal(ks[3], (1, k_n), jnp.float32) * (1.0 / np.sqrt(k_n)),
        "fc_b": jnp.zeros((1,), jnp.float32),
        "mlp4": _conv_params(ks[4], dm, d_out),
        "shortcut": _conv_params(ks[5], d_in, d_out),
    }


def setup_inputs(seed: int = 0) -> dict:
    key = jax.random.key(seed)
    k1, k2, k3, k4, k5 = jax.random.split(key, 5)
    feature = jax.random.normal(k1, (B, D_IN, N, 1), jnp.float32)
    xyz = jax.random.uniform(k2, (B, N, 3), jnp.float32)
    neigh_idx = jax.random.randint(k3, (B, N, K_N), 0, N).astype(jnp.int64)
    params = {
        "block1": _block_params(k4, D_IN, D_OUT, M, K_N),
        "block2": _block_params(k5, D_OUT, 2 * D_OUT, M, K_N),
    }
    return {"feature": feature, "xyz": xyz, "neigh_idx": neigh_idx, "params": params}


def conv_bn_relu(p, x):
    # 1x1 conv (no bias) + BatchNorm2d (train-mode batch stats, eps=1e-5) + ReLU
    y = jnp.einsum("oi,bihw->bohw", p["W"], x)
    mean = jnp.mean(y, axis=(0, 2, 3), keepdims=True)
    var = jnp.var(y, axis=(0, 2, 3), keepdims=True)
    yn = (y - mean) / jnp.sqrt(var + 1e-5)
    y = p["g"][None, :, None, None] * yn + p["b"][None, :, None, None]
    return jax.nn.relu(y)


def gather_neighbour(pc, neighbor_idx):
    # pc: [B, N, d]; neighbor_idx: [B, N, k] -> [B, N, k, d]
    b, n, d = pc.shape
    k = neighbor_idx.shape[-1]
    idx_flat = neighbor_idx.reshape(b, n * k)
    feats = jnp.take_along_axis(pc, idx_flat[:, :, None], axis=1)
    return feats.reshape(b, n, k, d)


def relative_pos_encoding(xyz, neigh_idx):
    neighbor_xyz = gather_neighbour(xyz, neigh_idx)
    xyz_tile = jnp.broadcast_to(xyz[:, :, None, :], neighbor_xyz.shape)
    relative_xyz = xyz_tile - neighbor_xyz
    relative_dis = jnp.sqrt(jnp.sum(relative_xyz ** 2, axis=-1, keepdims=True))
    return jnp.concatenate([relative_dis, relative_xyz, xyz_tile, neighbor_xyz], axis=-1)


def block_forward(p, feature, xyz, neigh_idx):
    f_xyz = relative_pos_encoding(xyz, neigh_idx)          # [B,N,k,10]
    f_xyz = jnp.transpose(f_xyz, (0, 3, 1, 2))             # [B,10,N,k]
    f_xyz = conv_bn_relu(p["mlp1"], f_xyz)                 # [B,dm,N,k]
    f_pc = conv_bn_relu(p["mlp2"], feature)                # [B,dm,N,1]
    f_pc = jnp.transpose(f_pc[..., 0], (0, 2, 1))          # [B,N,dm]
    f_pc = gather_neighbour(f_pc, neigh_idx)               # [B,N,k,dm]
    f_pc = jnp.transpose(f_pc, (0, 3, 1, 2))               # [B,dm,N,k]
    f_concat = jnp.concatenate([f_pc, f_xyz], axis=1)      # [B,2dm,N,k]
    f_concat = conv_bn_relu(p["mlp3"], f_concat)           # [B,dm,N,k]
    f_concat = jnp.transpose(f_concat, (0, 2, 3, 1))       # [B,N,k,dm]
    b, n, k, d = f_concat.shape
    score = jnp.transpose(f_concat.reshape(b * n, k, d), (0, 2, 1))  # [BN,d,k]
    score = (score @ p["fc_w"].T + p["fc_b"]).reshape(b, n, d)
    score = jax.nn.softmax(score, axis=-1)
    f_max = jnp.max(f_concat, axis=2, keepdims=True)       # [B,N,1,d]
    f_weighted = f_max * score[:, :, None, :]
    f_c = f_max + f_weighted
    f_c = jnp.transpose(f_c, (0, 3, 1, 2))                 # [B,d,N,1]
    f_c = conv_bn_relu(p["mlp4"], f_c)                     # [B,d_out,N,1]
    sc = conv_bn_relu(p["shortcut"], feature)              # [B,d_out,N,1]
    return f_c + sc


def reference(feature, xyz, neigh_idx, params):
    f = block_forward(params["block1"], feature, xyz, neigh_idx)
    f = block_forward(params["block2"], f, xyz, neigh_idx)
    return f

if __name__ == "__main__":
    import jax
    _d = setup_inputs()
    print(jax.jit(kernel)(*tuple(_d.values())))

</pallas_src>

<mosaic_0001>
#map = affine_map<(d0, d1) -> (0)>
#map1 = affine_map<(d0, d1) -> (0, 0)>
module attributes {stable_mosaic.version = 14 : i64} {
  func.func @gk(%arg0: i32, %arg1: i32, %arg2: memref<1600000xi32, #tpu.memory_space<hbm>>, %arg3: memref<100000x128xf32, #tpu.memory_space<hbm>>, %arg4: memref<1600000x128xf32, #tpu.memory_space<hbm>>, %arg5: memref<400xi32, #tpu.memory_space<vmem>>, %arg6: memref<400x128xf32, #tpu.memory_space<vmem>>, %arg7: memref<!tpu.dma_semaphore, #tpu.memory_space<semaphore_mem>>) attributes {dimension_semantics = [#tpu.dimension_semantics<core_parallel>, #tpu.dimension_semantics<subcore_parallel>], iteration_bounds = array<i64: 2, 16>, scalar_prefetch = 0 : i64, scratch_operands = 3 : i64, tpu.core_type = #tpu.core_type<sc_vector_subcore>, window_params = [{transform_indices = #map}, {transform_indices = #map1}, {transform_indices = #map1}]} {
    %mul3A = arith.constant 2 : i32
    %mul3A_0 = arith.muli %arg1, %mul3A : i32
    %add3A = arith.addi %mul3A_0, %arg0 : i32
    %mul3A_1 = arith.constant 50000 : i32
    %mul3A_2 = arith.muli %add3A, %mul3A_1 : i32
    %scan3A = arith.constant 0 : i32
    %scan3A_3 = arith.constant 0 : i32
    %scan3A_4 = arith.constant 125 : i32
    %scan3A_5 = arith.addi %scan3A_3, %scan3A_4 : i32
    %scan3A_6 = arith.constant 1 : i32
    scf.for %scan3A_8 = %scan3A_3 to %scan3A_5 step %scan3A_6  : i32 {
      %mul3A_9 = arith.constant 400 : i32
      %mul3A_10 = arith.muli %scan3A_8, %mul3A_9 : i32
      %add3A_11 = arith.addi %mul3A_2, %mul3A_10 : i32
      "tpu.region"() ({
        %run_scoped3A = tpu.sem_alloc : memref<!tpu.dma_semaphore, #tpu.memory_space<semaphore_mem>>
        %dma_start3A_16 = tpu.memref_slice %arg2[%add3A_11] : memref<1600000xi32, #tpu.memory_space<hbm>> -> memref<400xi32, #tpu.memory_space<hbm>>
        %dma_start3A_17 = tpu.memref_slice %arg2[%add3A_11] : memref<1600000xi32, #tpu.memory_space<hbm>> -> memref<400xi32, #tpu.memory_space<hbm>>
        tpu.enqueue_dma source(%dma_start3A_17 : memref<400xi32, #tpu.memory_space<hbm>>) target(%arg5 : memref<400xi32, #tpu.memory_space<vmem>>) target_semaphore(%run_scoped3A : memref<!tpu.dma_semaphore, #tpu.memory_space<semaphore_mem>>)
        %dma_wait3A_18 = tpu.memref_slice %arg2[%add3A_11] : memref<1600000xi32, #tpu.memory_space<hbm>> -> memref<400xi32, #tpu.memory_space<hbm>>
        %dma_wait3A_19 = tpu.memref_slice %arg2[%add3A_11] : memref<1600000xi32, #tpu.memory_space<hbm>> -> memref<400xi32, #tpu.memory_space<hbm>>
        tpu.wait_dma2 semaphore(%run_scoped3A : memref<!tpu.dma_semaphore, #tpu.memory_space<semaphore_mem>>) src(%dma_wait3A_19 : memref<400xi32, #tpu.memory_space<hbm>>) dst(%arg5 : memref<400xi32, #tpu.memory_space<vmem>>)
        tpu.yield
      }) : () -> ()
      %dma_start3A = arith.constant 0 : i32
      %dma_start3A_12 = arith.constant 0 : i32
      %dma_start3A_13 = tpu.memref_slice %arg3[%dma_start3A, %dma_start3A_12] : memref<100000x128xf32, #tpu.memory_space<hbm>> -> memref<100000x128xf32, #tpu.memory_space<hbm>>
      tpu.enqueue_indirect_dma source(%dma_start3A_13 : memref<100000x128xf32, #tpu.memory_space<hbm>>) target(%arg6 : memref<400x128xf32, #tpu.memory_space<vmem>>) offsets(%arg5 : memref<400xi32, #tpu.memory_space<vmem>>) semaphore(%arg7 : memref<!tpu.dma_semaphore, #tpu.memory_space<semaphore_mem>>)
      %dma_wait3A = arith.constant 0 : i32
      %dma_wait3A_14 = arith.constant 0 : i32
      %dma_wait3A_15 = tpu.memref_slice %arg3[%dma_wait3A, %dma_wait3A_14] : memref<100000x128xf32, #tpu.memory_space<hbm>> -> memref<100000x128xf32, #tpu.memory_space<hbm>>
      tpu.wait_indirect_dma semaphore(%arg7 : memref<!tpu.dma_semaphore, #tpu.memory_space<semaphore_mem>>) src(%dma_wait3A_15 : memref<100000x128xf32, #tpu.memory_space<hbm>>) dst(%arg6 : memref<400x128xf32, #tpu.memory_space<vmem>>)
      "tpu.region"() ({
        %run_scoped3A = tpu.sem_alloc : memref<!tpu.dma_semaphore, #tpu.memory_space<semaphore_mem>>
        %dma_start3A_16 = arith.constant 0 : i32
        %dma_start3A_17 = tpu.memref_slice %arg4[%add3A_11, %dma_start3A_16] : memref<1600000x128xf32, #tpu.memory_space<hbm>> -> memref<400x128xf32, #tpu.memory_space<hbm>>
        %dma_start3A_18 = arith.constant 0 : i32
        %dma_start3A_19 = tpu.memref_slice %arg4[%add3A_11, %dma_start3A_18] : memref<1600000x128xf32, #tpu.memory_space<hbm>> -> memref<400x128xf32, #tpu.memory_space<hbm>>
        tpu.enqueue_dma source(%arg6 : memref<400x128xf32, #tpu.memory_space<vmem>>) target(%dma_start3A_19 : memref<400x128xf32, #tpu.memory_space<hbm>>) target_semaphore(%run_scoped3A : memref<!tpu.dma_semaphore, #tpu.memory_space<semaphore_mem>>)
        %dma_wait3A_20 = arith.constant 0 : i32
        %dma_wait3A_21 = tpu.memref_slice %arg4[%add3A_11, %dma_wait3A_20] : memref<1600000x128xf32, #tpu.memory_space<hbm>> -> memref<400x128xf32, #tpu.memory_space<hbm>>
        %dma_wait3A_22 = arith.constant 0 : i32
        %dma_wait3A_23 = tpu.memref_slice %arg4[%add3A_11, %dma_wait3A_22] : memref<1600000x128xf32, #tpu.memory_space<hbm>> -> memref<400x128xf32, #tpu.memory_space<hbm>>
        tpu.wait_dma2 semaphore(%run_scoped3A : memref<!tpu.dma_semaphore, #tpu.memory_space<semaphore_mem>>) src(%arg6 : memref<400x128xf32, #tpu.memory_space<vmem>>) dst(%dma_wait3A_23 : memref<400x128xf32, #tpu.memory_space<hbm>>)
        tpu.yield
      }) : () -> ()
    }
    %scan3A_7 = arith.constant 125 : i32
    return
  }
}

#map = affine_map<(d0, d1) -> (0)>
#map1 = affine_map<(d0, d1) -> (0, 0)>
module attributes {stable_mosaic.version = 14 : i64} {
  func.func @gk(%arg0: i32, %arg1: i32, %arg2: memref<1600000xi32, #tpu.memory_space<hbm>>, %arg3: memref<100000x128xf32, #tpu.memory_space<hbm>>, %arg4: memref<1600000x128xf32, #tpu.memory_space<hbm>>, %arg5: memref<400xi32, #tpu.memory_space<vmem>>, %arg6: memref<400x128xf32, #tpu.memory_space<vmem>>, %arg7: memref<!tpu.dma_semaphore, #tpu.memory_space<semaphore_mem>>) attributes {dimension_semantics = [#tpu.dimension_semantics<core_parallel>, #tpu.dimension_semantics<subcore_parallel>], iteration_bounds = array<i64: 2, 16>, scalar_prefetch = 0 : i64, scratch_operands = 3 : i64, tpu.core_type = #tpu.core_type<sc_vector_subcore>, window_params = [{transform_indices = #map}, {transform_indices = #map1}, {transform_indices = #map1}]} {
    %mul3A = arith.constant 2 : i32
    %mul3A_0 = arith.muli %arg1, %mul3A : i32
    %add3A = arith.addi %mul3A_0, %arg0 : i32
    %mul3A_1 = arith.constant 50000 : i32
    %mul3A_2 = arith.muli %add3A, %mul3A_1 : i32
    %scan3A = arith.constant 0 : i32
    %scan3A_3 = arith.constant 0 : i32
    %scan3A_4 = arith.constant 125 : i32
    %scan3A_5 = arith.addi %scan3A_3, %scan3A_4 : i32
    %scan3A_6 = arith.constant 1 : i32
    scf.for %scan3A_8 = %scan3A_3 to %scan3A_5 step %scan3A_6  : i32 {
      %mul3A_9 = arith.constant 400 : i32
      %mul3A_10 = arith.muli %scan3A_8, %mul3A_9 : i32
      %add3A_11 = arith.addi %mul3A_2, %mul3A_10 : i32
      "tpu.region"() ({
        %run_scoped3A = tpu.sem_alloc : memref<!tpu.dma_semaphore, #tpu.memory_space<semaphore_mem>>
        %dma_start3A_16 = tpu.memref_slice %arg2[%add3A_11] : memref<1600000xi32, #tpu.memory_space<hbm>> -> memref<400xi32, #tpu.memory_space<hbm>>
        %dma_start3A_17 = tpu.memref_slice %arg2[%add3A_11] : memref<1600000xi32, #tpu.memory_space<hbm>> -> memref<400xi32, #tpu.memory_space<hbm>>
        tpu.enqueue_dma source(%dma_start3A_17 : memref<400xi32, #tpu.memory_space<hbm>>) target(%arg5 : memref<400xi32, #tpu.memory_space<vmem>>) target_semaphore(%run_scoped3A : memref<!tpu.dma_semaphore, #tpu.memory_space<semaphore_mem>>)
        %dma_wait3A_18 = tpu.memref_slice %arg2[%add3A_11] : memref<1600000xi32, #tpu.memory_space<hbm>> -> memref<400xi32, #tpu.memory_space<hbm>>
        %dma_wait3A_19 = tpu.memref_slice %arg2[%add3A_11] : memref<1600000xi32, #tpu.memory_space<hbm>> -> memref<400xi32, #tpu.memory_space<hbm>>
        tpu.wait_dma2 semaphore(%run_scoped3A : memref<!tpu.dma_semaphore, #tpu.memory_space<semaphore_mem>>) src(%dma_wait3A_19 : memref<400xi32, #tpu.memory_space<hbm>>) dst(%arg5 : memref<400xi32, #tpu.memory_space<vmem>>)
        tpu.yield
      }) : () -> ()
      %dma_start3A = arith.constant 0 : i32
      %dma_start3A_12 = arith.constant 0 : i32
      %dma_start3A_13 = tpu.memref_slice %arg3[%dma_start3A, %dma_start3A_12] : memref<100000x128xf32, #tpu.memory_space<hbm>> -> memref<100000x128xf32, #tpu.memory_space<hbm>>
      tpu.enqueue_indirect_dma source(%dma_start3A_13 : memref<100000x128xf32, #tpu.memory_space<hbm>>) target(%arg6 : memref<400x128xf32, #tpu.memory_space<vmem>>) offsets(%arg5 : memref<400xi32, #tpu.memory_space<vmem>>) semaphore(%arg7 : memref<!tpu.dma_semaphore, #tpu.memory_space<semaphore_mem>>)
      %dma_wait3A = arith.constant 0 : i32
      %dma_wait3A_14 = arith.constant 0 : i32
      %dma_wait3A_15 = tpu.memref_slice %arg3[%dma_wait3A, %dma_wait3A_14] : memref<100000x128xf32, #tpu.memory_space<hbm>> -> memref<100000x128xf32, #tpu.memory_space<hbm>>
      tpu.wait_indirect_dma semaphore(%arg7 : memref<!tpu.dma_semaphore, #tpu.memory_space<semaphore_mem>>) src(%dma_wait3A_15 : memref<100000x128xf32, #tpu.memory_space<hbm>>) dst(%arg6 : memref<400x128xf32, #tpu.memory_space<vmem>>)
      "tpu.region"() ({
        %run_scoped3A = tpu.sem_alloc : memref<!tpu.dma_semaphore, #tpu.memory_space<semaphore_mem>>
        %dma_start3A_16 = arith.constant 0 : i32
        %dma_start3A_17 = tpu.memref_slice %arg4[%add3A_11, %dma_start3A_16] : memref<1600000x128xf32, #tpu.memory_space<hbm>> -> memref<400x128xf32, #tpu.memory_space<hbm>>
        %dma_start3A_18 = arith.constant 0 : i32
        %dma_start3A_19 = tpu.memref_slice %arg4[%add3A_11, %dma_start3A_18] : memref<1600000x128xf32, #tpu.memory_space<hbm>> -> memref<400x128xf32, #tpu.memory_space<hbm>>
        tpu.enqueue_dma source(%arg6 : memref<400x128xf32, #tpu.memory_space<vmem>>) target(%dma_start3A_19 : memref<400x128xf32, #tpu.memory_space<hbm>>) target_semaphore(%run_scoped3A : memref<!tpu.dma_semaphore, #tpu.memory_space<semaphore_mem>>)
        %dma_wait3A_20 = arith.constant 0 : i32
        %dma_wait3A_21 = tpu.memref_slice %arg4[%add3A_11, %dma_wait3A_20] : memref<1600000x128xf32, #tpu.memory_space<hbm>> -> memref<400x128xf32, #tpu.memory_space<hbm>>
        %dma_wait3A_22 = arith.constant 0 : i32
        %dma_wait3A_23 = tpu.memref_slice %arg4[%add3A_11, %dma_wait3A_22] : memref<1600000x128xf32, #tpu.memory_space<hbm>> -> memref<400x128xf32, #tpu.memory_space<hbm>>
        tpu.wait_dma2 semaphore(%run_scoped3A : memref<!tpu.dma_semaphore, #tpu.memory_space<semaphore_mem>>) src(%arg6 : memref<400x128xf32, #tpu.memory_space<vmem>>) dst(%dma_wait3A_23 : memref<400x128xf32, #tpu.memory_space<hbm>>)
        tpu.yield
      }) : () -> ()
    }
    %scan3A_7 = arith.constant 125 : i32
    return
  }
}

module attributes {stable_mosaic.version = 14 : i64} {
  func.func @kfn(%arg0: i32, %arg1: memref<2000x16xf32, #tpu.memory_space<vmem>>, %arg2: memref<1x16xf32, #tpu.memory_space<vmem>>, %arg3: memref<16x16xf32, #tpu.memory_space<vmem>>, %arg4: memref<1x16xf32, #tpu.memory_space<vmem>>, %arg5: memref<16x16xf32, #tpu.memory_space<vmem>>) attributes {dimension_semantics = [#tpu.dimension_semantics<arbitrary>], iteration_bounds = array<i64: 50>, scalar_prefetch = 0 : i64, scratch_operands = 2 : i64, tpu.core_type = #tpu.core_type<tc>, window_params = [{transform_indices = @transform_0, window_bounds = array<i64: 2000, 16>}, {pipeline_mode = #tpu.pipeline_mode<synchronous>, transform_indices = @transform_1, window_bounds = array<i64: 1, 16>}, {pipeline_mode = #tpu.pipeline_mode<synchronous>, transform_indices = @transform_2, window_bounds = array<i64: 16, 16>}]} {
    %eq3A = arith.constant 0 : i32
    %eq3A_0 = arith.cmpi eq, %arg0, %eq3A : i32
    %convert_element_type3A = arith.extui %eq3A_0 : i1 to i32
    %cond3A = arith.constant 0 : i32
    %cond3A_1 = arith.cmpi ne, %convert_element_type3A, %cond3A : i32
    scf.if %cond3A_1 {
      %broadcast_in_dim3A_23 = arith.constant 0.000000e+00 : f32
      %broadcast_in_dim3A_24 = vector.broadcast %broadcast_in_dim3A_23 : f32 to vector<1x16xf32>
      %swap3A_25 = arith.constant 0 : index
      %swap3A_26 = arith.constant 0 : index
      %swap3A_27 = vector.load %arg4[%swap3A_25, %swap3A_26] : memref<1x16xf32, #tpu.memory_space<vmem>>, vector<1x16xf32>
      tpu.vector_store %arg4[%swap3A_25, %swap3A_26], %broadcast_in_dim3A_24 {strides = array<i32>} : memref<1x16xf32, #tpu.memory_space<vmem>>, vector<1x16xf32>,
      %broadcast_in_dim3A_28 = arith.constant 0.000000e+00 : f32
      %broadcast_in_dim3A_29 = vector.broadcast %broadcast_in_dim3A_28 : f32 to vector<16x16xf32>
      %swap3A_30 = arith.constant 0 : index
      %swap3A_31 = arith.constant 0 : index
      %swap3A_32 = vector.load %arg5[%swap3A_30, %swap3A_31] : memref<16x16xf32, #tpu.memory_space<vmem>>, vector<16x16xf32>
      tpu.vector_store %arg5[%swap3A_30, %swap3A_31], %broadcast_in_dim3A_29 {strides = array<i32>} : memref<16x16xf32, #tpu.memory_space<vmem>>, vector<16x16xf32>,
    } else {
    }
    %get3A = arith.constant 0 : index
    %get3A_2 = arith.constant 0 : index
    %get3A_3 = vector.load %arg1[%get3A, %get3A_2] : memref<2000x16xf32, #tpu.memory_space<vmem>>, vector<2000x16xf32>
    %get3A_4 = arith.constant 0 : index
    %get3A_5 = arith.constant 0 : index
    %get3A_6 = vector.load %arg4[%get3A_4, %get3A_5] : memref<1x16xf32, #tpu.memory_space<vmem>>, vector<1x16xf32>
    %reduce_sum3A = arith.constant dense<0.000000e+00> : vector<16xf32>
    %reduce_sum3A_7 = vector.multi_reduction <add>, %get3A_3, %reduce_sum3A [0] : vector<2000x16xf32> to vector<16xf32>
    %broadcast_in_dim3A = vector.shape_cast %reduce_sum3A_7 : vector<16xf32> to vector<1x16xf32>
    %add3A = arith.addf %get3A_6, %broadcast_in_dim3A : vector<1x16xf32>
    %swap3A = arith.constant 0 : index
    %swap3A_8 = arith.constant 0 : index
    %swap3A_9 = vector.load %arg4[%swap3A, %swap3A_8] : memref<1x16xf32, #tpu.memory_space<vmem>>, vector<1x16xf32>
    tpu.vector_store %arg4[%swap3A, %swap3A_8], %add3A {strides = array<i32>} : memref<1x16xf32, #tpu.memory_space<vmem>>, vector<1x16xf32>,
    %get3A_10 = arith.constant 0 : index
    %get3A_11 = arith.constant 0 : index
    %get3A_12 = vector.load %arg5[%get3A_10, %get3A_11] : memref<16x16xf32, #tpu.memory_space<vmem>>, vector<16x16xf32>
    %dot_general3A = arith.constant dense<0.000000e+00> : vector<16x16xf32>
    %dot_general3A_13 = tpu.matmul %get3A_3, %get3A_3, %dot_general3A {dimension_numbers = #tpu.dot_dimension_numbers<[0], [0], [1], [1], [0, 1, 1, 1], [], []>, precision = #tpu.contract_precision<fp32>, transpose_lhs_hint = false} : vector<2000x16xf32>, vector<2000x16xf32>, vector<16x16xf32> -> vector<16x16xf32>
    %add3A_14 = arith.addf %get3A_12, %dot_general3A_13 : vector<16x16xf32>
    %swap3A_15 = arith.constant 0 : index
    %swap3A_16 = arith.constant 0 : index
    %swap3A_17 = vector.load %arg5[%swap3A_15, %swap3A_16] : memref<16x16xf32, #tpu.memory_space<vmem>>, vector<16x16xf32>
    tpu.vector_store %arg5[%swap3A_15, %swap3A_16], %add3A_14 {strides = array<i32>} : memref<16x16xf32, #tpu.memory_space<vmem>>, vector<16x16xf32>,
    %eq3A_18 = arith.constant 49 : i32
    %eq3A_19 = arith.cmpi eq, %arg0, %eq3A_18 : i32
    %convert_element_type3A_20 = arith.extui %eq3A_19 : i1 to i32
    %cond3A_21 = arith.constant 0 : i32
    %cond3A_22 = arith.cmpi ne, %convert_element_type3A_20, %cond3A_21 : i32
    scf.if %cond3A_22 {
      %get3A_23 = arith.constant 0 : index
      %get3A_24 = arith.constant 0 : index
      %get3A_25 = vector.load %arg4[%get3A_23, %get3A_24] : memref<1x16xf32, #tpu.memory_space<vmem>>, vector<1x16xf32>
      %swap3A_26 = arith.constant 0 : index
      %swap3A_27 = arith.constant 0 : index
      %swap3A_28 = vector.load %arg2[%swap3A_26, %swap3A_27] : memref<1x16xf32, #tpu.memory_space<vmem>>, vector<1x16xf32>
      tpu.vector_store %arg2[%swap3A_26, %swap3A_27], %get3A_25 {strides = array<i32>} : memref<1x16xf32, #tpu.memory_space<vmem>>, vector<1x16xf32>,
      %get3A_29 = arith.constant 0 : index
      %get3A_30 = arith.constant 0 : index
      %get3A_31 = vector.load %arg5[%get3A_29, %get3A_30] : memref<16x16xf32, #tpu.memory_space<vmem>>, vector<16x16xf32>
      %swap3A_32 = arith.constant 0 : index
      %swap3A_33 = arith.constant 0 : index
      %swap3A_34 = vector.load %arg3[%swap3A_32, %swap3A_33] : memref<16x16xf32, #tpu.memory_space<vmem>>, vector<16x16xf32>
      tpu.vector_store %arg3[%swap3A_32, %swap3A_33], %get3A_31 {strides = array<i32>} : memref<16x16xf32, #tpu.memory_space<vmem>>, vector<16x16xf32>,
    } else {
    }
    return
  }
  func.func @transform_0(%arg0: i32) -> (i32, i32) {
    %c0_i32 = arith.constant 0 : i32
    %c0_i32_0 = arith.constant 0 : i32
    return %arg0, %c0_i32 : i32, i32
  }
  func.func @transform_1(%arg0: i32) -> (i32, i32) {
    %c0_i32 = arith.constant 0 : i32
    %c0_i32_0 = arith.constant 0 : i32
    %c0_i32_1 = arith.constant 0 : i32
    return %c0_i32, %c0_i32_0 : i32, i32
  }
  func.func @transform_2(%arg0: i32) -> (i32, i32) {
    %c0_i32 = arith.constant 0 : i32
    %c0_i32_0 = arith.constant 0 : i32
    %c0_i32_1 = arith.constant 0 : i32
    return %c0_i32, %c0_i32_0 : i32, i32
  }
}

module attributes {stable_mosaic.version = 14 : i64} {
  func.func @kfn(%arg0: i32, %arg1: memref<2000x16xf32, #tpu.memory_space<vmem>>, %arg2: memref<1x16xf32, #tpu.memory_space<vmem>>, %arg3: memref<16x16xf32, #tpu.memory_space<vmem>>, %arg4: memref<16x16xf32, #tpu.memory_space<vmem>>) attributes {dimension_semantics = [#tpu.dimension_semantics<arbitrary>], iteration_bounds = array<i64: 50>, scalar_prefetch = 0 : i64, scratch_operands = 1 : i64, tpu.core_type = #tpu.core_type<tc>, window_params = [{transform_indices = @transform_0, window_bounds = array<i64: 2000, 16>}, {pipeline_mode = #tpu.pipeline_mode<synchronous>, transform_indices = @transform_1, window_bounds = array<i64: 1, 16>}, {pipeline_mode = #tpu.pipeline_mode<synchronous>, transform_indices = @transform_2, window_bounds = array<i64: 16, 16>}]} {
    %eq3A = arith.constant 0 : i32
    %eq3A_0 = arith.cmpi eq, %arg0, %eq3A : i32
    %convert_element_type3A = arith.extui %eq3A_0 : i1 to i32
    %cond3A = arith.constant 0 : i32
    %cond3A_1 = arith.cmpi ne, %convert_element_type3A, %cond3A : i32
    scf.if %cond3A_1 {
      %broadcast_in_dim3A = arith.constant 0.000000e+00 : f32
      %broadcast_in_dim3A_19 = vector.broadcast %broadcast_in_dim3A : f32 to vector<16x16xf32>
      %swap3A_20 = arith.constant 0 : index
      %swap3A_21 = arith.constant 0 : index
      %swap3A_22 = vector.load %arg4[%swap3A_20, %swap3A_21] : memref<16x16xf32, #tpu.memory_space<vmem>>, vector<16x16xf32>
      tpu.vector_store %arg4[%swap3A_20, %swap3A_21], %broadcast_in_dim3A_19 {strides = array<i32>} : memref<16x16xf32, #tpu.memory_space<vmem>>, vector<16x16xf32>,
    } else {
    }
    %get3A = arith.constant 0 : index
    %get3A_2 = arith.constant 0 : index
    %get3A_3 = vector.load %arg1[%get3A, %get3A_2] : memref<2000x16xf32, #tpu.memory_space<vmem>>, vector<2000x16xf32>
    %get3A_4 = arith.constant 0 : index
    %get3A_5 = arith.constant 0 : index
    %get3A_6 = vector.load %arg2[%get3A_4, %get3A_5] : memref<1x16xf32, #tpu.memory_space<vmem>>, vector<1x16xf32>
    %sub3A = vector.broadcast %get3A_6 : vector<1x16xf32> to vector<2000x16xf32>
    %sub3A_7 = arith.subf %get3A_3, %sub3A : vector<2000x16xf32>
    %get3A_8 = arith.constant 0 : index
    %get3A_9 = arith.constant 0 : index
    %get3A_10 = vector.load %arg4[%get3A_8, %get3A_9] : memref<16x16xf32, #tpu.memory_space<vmem>>, vector<16x16xf32>
    %dot_general3A = arith.constant dense<0.000000e+00> : vector<16x16xf32>
    %dot_general3A_11 = tpu.matmul %sub3A_7, %sub3A_7, %dot_general3A {dimension_numbers = #tpu.dot_dimension_numbers<[0], [0], [1], [1], [0, 1, 1, 1], [], []>, precision = #tpu.contract_precision<fp32>, transpose_lhs_hint = false} : vector<2000x16xf32>, vector<2000x16xf32>, vector<16x16xf32> -> vector<16x16xf32>
    %add3A = arith.addf %get3A_10, %dot_general3A_11 : vector<16x16xf32>
    %swap3A = arith.constant 0 : index
    %swap3A_12 = arith.constant 0 : index
    %swap3A_13 = vector.load %arg4[%swap3A, %swap3A_12] : memref<16x16xf32, #tpu.memory_space<vmem>>, vector<16x16xf32>
    tpu.vector_store %arg4[%swap3A, %swap3A_12], %add3A {strides = array<i32>} : memref<16x16xf32, #tpu.memory_space<vmem>>, vector<16x16xf32>,
    %eq3A_14 = arith.constant 49 : i32
    %eq3A_15 = arith.cmpi eq, %arg0, %eq3A_14 : i32
    %convert_element_type3A_16 = arith.extui %eq3A_15 : i1 to i32
    %cond3A_17 = arith.constant 0 : i32
    %cond3A_18 = arith.cmpi ne, %convert_element_type3A_16, %cond3A_17 : i32
    scf.if %cond3A_18 {
      %get3A_19 = arith.constant 0 : index
      %get3A_20 = arith.constant 0 : index
      %get3A_21 = vector.load %arg4[%get3A_19, %get3A_20] : memref<16x16xf32, #tpu.memory_space<vmem>>, vector<16x16xf32>
      %swap3A_22 = arith.constant 0 : index
      %swap3A_23 = arith.constant 0 : index
      %swap3A_24 = vector.load %arg3[%swap3A_22, %swap3A_23] : memref<16x16xf32, #tpu.memory_space<vmem>>, vector<16x16xf32>
      tpu.vector_store %arg3[%swap3A_22, %swap3A_23], %get3A_21 {strides = array<i32>} : memref<16x16xf32, #tpu.memory_space<vmem>>, vector<16x16xf32>,
    } else {
    }
    return
  }
  func.func @transform_0(%arg0: i32) -> (i32, i32) {
    %c0_i32 = arith.constant 0 : i32
    %c0_i32_0 = arith.constant 0 : i32
    return %arg0, %c0_i32 : i32, i32
  }
  func.func @transform_1(%arg0: i32) -> (i32, i32) {
    %c0_i32 = arith.constant 0 : i32
    %c0_i32_0 = arith.constant 0 : i32
    %c0_i32_1 = arith.constant 0 : i32
    return %c0_i32, %c0_i32_0 : i32, i32
  }
  func.func @transform_2(%arg0: i32) -> (i32, i32) {
    %c0_i32 = arith.constant 0 : i32
    %c0_i32_0 = arith.constant 0 : i32
    %c0_i32_1 = arith.constant 0 : i32
    return %c0_i32, %c0_i32_0 : i32, i32
  }
}

module attributes {stable_mosaic.version = 14 : i64} {
  func.func @kfn(%arg0: i32, %arg1: memref<2000x16xf32, #tpu.memory_space<vmem>>, %arg2: memref<2000x3xf32, #tpu.memory_space<vmem>>, %arg3: memref<16x8xf32, #tpu.memory_space<vmem>>, %arg4: memref<1x8xf32, #tpu.memory_space<vmem>>, %arg5: memref<2000x128xf32, #tpu.memory_space<vmem>>) attributes {dimension_semantics = [#tpu.dimension_semantics<arbitrary>], iteration_bounds = array<i64: 50>, scalar_prefetch = 0 : i64, scratch_operands = 0 : i64, tpu.core_type = #tpu.core_type<tc>, window_params = [{transform_indices = @transform_0, window_bounds = array<i64: 2000, 16>}, {transform_indices = @transform_1, window_bounds = array<i64: 2000, 3>}, {pipeline_mode = #tpu.pipeline_mode<synchronous>, transform_indices = @transform_2, window_bounds = array<i64: 16, 8>}, {pipeline_mode = #tpu.pipeline_mode<synchronous>, transform_indices = @transform_3, window_bounds = array<i64: 1, 8>}, {transform_indices = @transform_4, window_bounds = array<i64: 2000, 128>}]} {
    %get3A = arith.constant 0 : index
    %get3A_0 = arith.constant 0 : index
    %get3A_1 = vector.load %arg1[%get3A, %get3A_0] : memref<2000x16xf32, #tpu.memory_space<vmem>>, vector<2000x16xf32>
    %get3A_2 = arith.constant 0 : index
    %get3A_3 = arith.constant 0 : index
    %get3A_4 = vector.load %arg3[%get3A_2, %get3A_3] : memref<16x8xf32, #tpu.memory_space<vmem>>, vector<16x8xf32>
    %dot_general3A = arith.constant dense<0.000000e+00> : vector<2000x8xf32>
    %dot_general3A_5 = tpu.matmul %get3A_1, %get3A_4, %dot_general3A {dimension_numbers = #tpu.dot_dimension_numbers<[1], [0], [0], [1], [0, 0, 1, 1], [], []>, precision = #tpu.contract_precision<fp32>, transpose_lhs_hint = false} : vector<2000x16xf32>, vector<16x8xf32>, vector<2000x8xf32> -> vector<2000x8xf32>
    %get3A_6 = arith.constant 0 : index
    %get3A_7 = arith.constant 0 : index
    %get3A_8 = vector.load %arg4[%get3A_6, %get3A_7] : memref<1x8xf32, #tpu.memory_space<vmem>>, vector<1x8xf32>
    %add3A = vector.broadcast %get3A_8 : vector<1x8xf32> to vector<2000x8xf32>
    %add3A_9 = arith.addf %dot_general3A_5, %add3A : vector<2000x8xf32>
    %max3A = arith.constant 0.000000e+00 : f32
    %max3A_10 = vector.broadcast %max3A : f32 to vector<2000x8xf32>
    %max3A_11 = arith.maximumf %add3A_9, %max3A_10 : vector<2000x8xf32>
    %get3A_12 = arith.constant 0 : index
    %get3A_13 = arith.constant 0 : index
    %get3A_14 = vector.load %arg2[%get3A_12, %get3A_13] : memref<2000x3xf32, #tpu.memory_space<vmem>>, vector<2000x3xf32>
    %broadcast_in_dim3A = arith.constant 0.000000e+00 : f32
    %broadcast_in_dim3A_15 = vector.broadcast %broadcast_in_dim3A : f32 to vector<2000x117xf32>
    %concatenate3A = tpu.concatenate %get3A_14, %max3A_11, %broadcast_in_dim3A_15 in 1 : vector<2000x3xf32>, vector<2000x8xf32>, vector<2000x117xf32> -> vector<2000x128xf32>
    %swap3A = arith.constant 0 : index
    %swap3A_16 = arith.constant 0 : index
    %swap3A_17 = vector.load %arg5[%swap3A, %swap3A_16] : memref<2000x128xf32, #tpu.memory_space<vmem>>, vector<2000x128xf32>
    tpu.vector_store %arg5[%swap3A, %swap3A_16], %concatenate3A {strides = array<i32>} : memref<2000x128xf32, #tpu.memory_space<vmem>>, vector<2000x128xf32>,
    return
  }
  func.func @transform_0(%arg0: i32) -> (i32, i32) {
    %c0_i32 = arith.constant 0 : i32
    %c0_i32_0 = arith.constant 0 : i32
    return %arg0, %c0_i32 : i32, i32
  }
  func.func @transform_1(%arg0: i32) -> (i32, i32) {
    %c0_i32 = arith.constant 0 : i32
    %c0_i32_0 = arith.constant 0 : i32
    return %arg0, %c0_i32 : i32, i32
  }
  func.func @transform_2(%arg0: i32) -> (i32, i32) {
    %c0_i32 = arith.constant 0 : i32
    %c0_i32_0 = arith.constant 0 : i32
    %c0_i32_1 = arith.constant 0 : i32
    return %c0_i32, %c0_i32_0 : i32, i32
  }
  func.func @transform_3(%arg0: i32) -> (i32, i32) {
    %c0_i32 = arith.constant 0 : i32
    %c0_i32_0 = arith.constant 0 : i32
    %c0_i32_1 = arith.constant 0 : i32
    return %c0_i32, %c0_i32_0 : i32, i32
  }
  func.func @transform_4(%arg0: i32) -> (i32, i32) {
    %c0_i32 = arith.constant 0 : i32
    %c0_i32_0 = arith.constant 0 : i32
    return %arg0, %c0_i32 : i32, i32
  }
}

module attributes {stable_mosaic.version = 14 : i64} {
  func.func @kfn(%arg0: i32, %arg1: i32, %arg2: memref<1x2000x128xf32, #tpu.memory_space<vmem>>, %arg3: memref<2000x3xf32, #tpu.memory_space<vmem>>, %arg4: memref<1x10xf32, #tpu.memory_space<vmem>>, %arg5: memref<10x10xf32, #tpu.memory_space<vmem>>, %arg6: memref<1x10xf32, #tpu.memory_space<vmem>>, %arg7: memref<10x10xf32, #tpu.memory_space<vmem>>) attributes {dimension_semantics = [#tpu.dimension_semantics<arbitrary>, #tpu.dimension_semantics<arbitrary>], iteration_bounds = array<i64: 50, 16>, scalar_prefetch = 0 : i64, scratch_operands = 2 : i64, tpu.core_type = #tpu.core_type<tc>, window_params = [{transform_indices = @transform_0, window_bounds = array<i64: 1, 2000, 128>}, {transform_indices = @transform_1, window_bounds = array<i64: 2000, 3>}, {pipeline_mode = #tpu.pipeline_mode<synchronous>, transform_indices = @transform_2, window_bounds = array<i64: 1, 10>}, {pipeline_mode = #tpu.pipeline_mode<synchronous>, transform_indices = @transform_3, window_bounds = array<i64: 10, 10>}]} {
    %eq3A = arith.constant 0 : i32
    %eq3A_0 = arith.cmpi eq, %arg0, %eq3A : i32
    %eq3A_1 = arith.constant 0 : i32
    %eq3A_2 = arith.cmpi eq, %arg1, %eq3A_1 : i32
    %and3A = arith.andi %eq3A_0, %eq3A_2 : i1
    %convert_element_type3A = arith.extui %and3A : i1 to i32
    %cond3A = arith.constant 0 : i32
    %cond3A_3 = arith.cmpi ne, %convert_element_type3A, %cond3A : i32
    scf.if %cond3A_3 {
      %broadcast_in_dim3A_36 = arith.constant 0.000000e+00 : f32
      %broadcast_in_dim3A_37 = vector.broadcast %broadcast_in_dim3A_36 : f32 to vector<1x10xf32>
      %swap3A_38 = arith.constant 0 : index
      %swap3A_39 = arith.constant 0 : index
      %swap3A_40 = vector.load %arg6[%swap3A_38, %swap3A_39] : memref<1x10xf32, #tpu.memory_space<vmem>>, vector<1x10xf32>
      tpu.vector_store %arg6[%swap3A_38, %swap3A_39], %broadcast_in_dim3A_37 {strides = array<i32>} : memref<1x10xf32, #tpu.memory_space<vmem>>, vector<1x10xf32>,
      %broadcast_in_dim3A_41 = arith.constant 0.000000e+00 : f32
      %broadcast_in_dim3A_42 = vector.broadcast %broadcast_in_dim3A_41 : f32 to vector<10x10xf32>
      %swap3A_43 = arith.constant 0 : index
      %swap3A_44 = arith.constant 0 : index
      %swap3A_45 = vector.load %arg7[%swap3A_43, %swap3A_44] : memref<10x10xf32, #tpu.memory_space<vmem>>, vector<10x10xf32>
      tpu.vector_store %arg7[%swap3A_43, %swap3A_44], %broadcast_in_dim3A_42 {strides = array<i32>} : memref<10x10xf32, #tpu.memory_space<vmem>>, vector<10x10xf32>,
    } else {
    }
    %get3A = arith.constant 0 : index
    %get3A_4 = arith.constant 0 : index
    %get3A_5 = arith.constant 0 : index
    %get3A_6 = vector.load %arg2[%get3A, %get3A_4, %get3A_5] : memref<1x2000x128xf32, #tpu.memory_space<vmem>>, vector<1x2000x128xf32>
    %get3A_7 = vector.shape_cast %get3A_6 : vector<1x2000x128xf32> to vector<2000x128xf32>
    %get3A_8 = arith.constant 0 : index
    %get3A_9 = arith.constant 0 : index
    %get3A_10 = vector.load %arg3[%get3A_8, %get3A_9] : memref<2000x3xf32, #tpu.memory_space<vmem>>, vector<2000x3xf32>
    %slice3A = vector.extract_strided_slice %get3A_7 {offsets = [0, 0], sizes = [2000, 3], strides = [1, 1]} : vector<2000x128xf32> to vector<2000x3xf32>
    %sub3A = arith.subf %get3A_10, %slice3A : vector<2000x3xf32>
    %mul3A = arith.mulf %sub3A, %sub3A : vector<2000x3xf32>
    %reduce_sum3A = arith.constant dense<0.000000e+00> : vector<2000xf32>
    %reduce_sum3A_11 = vector.multi_reduction <add>, %mul3A, %reduce_sum3A [1] : vector<2000x3xf32> to vector<2000xf32>
    %broadcast_in_dim3A = vector.shape_cast %reduce_sum3A_11 : vector<2000xf32> to vector<2000x1xf32>
    %sqrt3A = math.sqrt %broadcast_in_dim3A : vector<2000x1xf32>
    %concatenate3A = tpu.concatenate %sqrt3A, %sub3A, %get3A_10, %slice3A in 1 : vector<2000x1xf32>, vector<2000x3xf32>, vector<2000x3xf32>, vector<2000x3xf32> -> vector<2000x10xf32>
    %get3A_12 = arith.constant 0 : index
    %get3A_13 = arith.constant 0 : index
    %get3A_14 = vector.load %arg6[%get3A_12, %get3A_13] : memref<1x10xf32, #tpu.memory_space<vmem>>, vector<1x10xf32>
    %reduce_sum3A_15 = arith.constant dense<0.000000e+00> : vector<10xf32>
    %reduce_sum3A_16 = vector.multi_reduction <add>, %concatenate3A, %reduce_sum3A_15 [0] : vector<2000x10xf32> to vector<10xf32>
    %broadcast_in_dim3A_17 = vector.shape_cast %reduce_sum3A_16 : vector<10xf32> to vector<1x10xf32>
    %add3A = arith.addf %get3A_14, %broadcast_in_dim3A_17 : vector<1x10xf32>
    %swap3A = arith.constant 0 : index
    %swap3A_18 = arith.constant 0 : index
    %swap3A_19 = vector.load %arg6[%swap3A, %swap3A_18] : memref<1x10xf32, #tpu.memory_space<vmem>>, vector<1x10xf32>
    tpu.vector_store %arg6[%swap3A, %swap3A_18], %add3A {strides = array<i32>} : memref<1x10xf32, #tpu.memory_space<vmem>>, vector<1x10xf32>,
    %get3A_20 = arith.constant 0 : index
    %get3A_21 = arith.constant 0 : index
    %get3A_22 = vector.load %arg7[%get3A_20, %get3A_21] : memref<10x10xf32, #tpu.memory_space<vmem>>, vector<10x10xf32>
    %dot_general3A = arith.constant dense<0.000000e+00> : vector<10x10xf32>
    %dot_general3A_23 = tpu.matmul %concatenate3A, %concatenate3A, %dot_general3A {dimension_numbers = #tpu.dot_dimension_numbers<[0], [0], [1], [1], [0, 1, 1, 1], [], []>, precision = #tpu.contract_precision<fp32>, transpose_lhs_hint = false} : vector<2000x10xf32>, vector<2000x10xf32>, vector<10x10xf32> -> vector<10x10xf32>
    %add3A_24 = arith.addf %get3A_22, %dot_general3A_23 : vector<10x10xf32>
    %swap3A_25 = arith.constant 0 : index
    %swap3A_26 = arith.constant 0 : index
    %swap3A_27 = vector.load %arg7[%swap3A_25, %swap3A_26] : memref<10x10xf32, #tpu.memory_space<vmem>>, vector<10x10xf32>
    tpu.vector_store %arg7[%swap3A_25, %swap3A_26], %add3A_24 {strides = array<i32>} : memref<10x10xf32, #tpu.memory_space<vmem>>, vector<10x10xf32>,
    %eq3A_28 = arith.constant 49 : i32
    %eq3A_29 = arith.cmpi eq, %arg0, %eq3A_28 : i32
    %eq3A_30 = arith.constant 15 : i32
    %eq3A_31 = arith.cmpi eq, %arg1, %eq3A_30 : i32
    %and3A_32 = arith.andi %eq3A_29, %eq3A_31 : i1
    %convert_element_type3A_33 = arith.extui %and3A_32 : i1 to i32
    %cond3A_34 = arith.constant 0 : i32
    %cond3A_35 = arith.cmpi ne, %convert_element_type3A_33, %cond3A_34 : i32
    scf.if %cond3A_35 {
      %get3A_36 = arith.constant 0 : index
      %get3A_37 = arith.constant 0 : index
      %get3A_38 = vector.load %arg6[%get3A_36, %get3A_37] : memref<1x10xf32, #tpu.memory_space<vmem>>, vector<1x10xf32>
      %swap3A_39 = arith.constant 0 : index
      %swap3A_40 = arith.constant 0 : index
      %swap3A_41 = vector.load %arg4[%swap3A_39, %swap3A_40] : memref<1x10xf32, #tpu.memory_space<vmem>>, vector<1x10xf32>
      tpu.vector_store %arg4[%swap3A_39, %swap3A_40], %get3A_38 {strides = array<i32>} : memref<1x10xf32, #tpu.memory_space<vmem>>, vector<1x10xf32>,
      %get3A_42 = arith.constant 0 : index
      %get3A_43 = arith.constant 0 : index
      %get3A_44 = vector.load %arg7[%get3A_42, %get3A_43] : memref<10x10xf32, #tpu.memory_space<vmem>>, vector<10x10xf32>
      %swap3A_45 = arith.constant 0 : index
      %swap3A_46 = arith.constant 0 : index
      %swap3A_47 = vector.load %arg5[%swap3A_45, %swap3A_46] : memref<10x10xf32, #tpu.memory_space<vmem>>, vector<10x10xf32>
      tpu.vector_store %arg5[%swap3A_45, %swap3A_46], %get3A_44 {strides = array<i32>} : memref<10x10xf32, #tpu.memory_space<vmem>>, vector<10x10xf32>,
    } else {
    }
    return
  }
  func.func @transform_0(%arg0: i32, %arg1: i32) -> (i32, i32, i32) {
    %c0_i32 = arith.constant 0 : i32
    %c0_i32_0 = arith.constant 0 : i32
    return %arg1, %arg0, %c0_i32 : i32, i32, i32
  }
  func.func @transform_1(%arg0: i32, %arg1: i32) -> (i32, i32) {
    %c0_i32 = arith.constant 0 : i32
    %c0_i32_0 = arith.constant 0 : i32
    return %arg0, %c0_i32 : i32, i32
  }
  func.func @transform_2(%arg0: i32, %arg1: i32) -> (i32, i32) {
    %c0_i32 = arith.constant 0 : i32
    %c0_i32_0 = arith.constant 0 : i32
    %c0_i32_1 = arith.constant 0 : i32
    return %c0_i32, %c0_i32_0 : i32, i32
  }
  func.func @transform_3(%arg0: i32, %arg1: i32) -> (i32, i32) {
    %c0_i32 = arith.constant 0 : i32
    %c0_i32_0 = arith.constant 0 : i32
    %c0_i32_1 = arith.constant 0 : i32
    return %c0_i32, %c0_i32_0 : i32, i32
  }
}

module attributes {stable_mosaic.version = 14 : i64} {
  func.func @kfn(%arg0: i32, %arg1: i32, %arg2: memref<1x2000x128xf32, #tpu.memory_space<vmem>>, %arg3: memref<2000x3xf32, #tpu.memory_space<vmem>>, %arg4: memref<10x8xf32, #tpu.memory_space<vmem>>, %arg5: memref<1x8xf32, #tpu.memory_space<vmem>>, %arg6: memref<1x16xf32, #tpu.memory_space<vmem>>, %arg7: memref<16x16xf32, #tpu.memory_space<vmem>>, %arg8: memref<1x16xf32, #tpu.memory_space<vmem>>, %arg9: memref<16x16xf32, #tpu.memory_space<vmem>>) attributes {dimension_semantics = [#tpu.dimension_semantics<arbitrary>, #tpu.dimension_semantics<arbitrary>], iteration_bounds = array<i64: 50, 16>, scalar_prefetch = 0 : i64, scratch_operands = 2 : i64, tpu.core_type = #tpu.core_type<tc>, window_params = [{transform_indices = @transform_0, window_bounds = array<i64: 1, 2000, 128>}, {transform_indices = @transform_1, window_bounds = array<i64: 2000, 3>}, {pipeline_mode = #tpu.pipeline_mode<synchronous>, transform_indices = @transform_2, window_bounds = array<i64: 10, 8>}, {pipeline_mode = #tpu.pipeline_mode<synchronous>, transform_indices = @transform_3, window_bounds = array<i64: 1, 8>}, {pipeline_mode = #tpu.pipeline_mode<synchronous>, transform_indices = @transform_4, window_bounds = array<i64: 1, 16>}, {pipeline_mode = #tpu.pipeline_mode<synchronous>, transform_indices = @transform_5, window_bounds = array<i64: 16, 16>}]} {
    %eq3A = arith.constant 0 : i32
    %eq3A_0 = arith.cmpi eq, %arg0, %eq3A : i32
    %eq3A_1 = arith.constant 0 : i32
    %eq3A_2 = arith.cmpi eq, %arg1, %eq3A_1 : i32
    %and3A = arith.andi %eq3A_0, %eq3A_2 : i1
    %convert_element_type3A = arith.extui %and3A : i1 to i32
    %cond3A = arith.constant 0 : i32
    %cond3A_3 = arith.cmpi ne, %convert_element_type3A, %cond3A : i32
    scf.if %cond3A_3 {
      %broadcast_in_dim3A_50 = arith.constant 0.000000e+00 : f32
      %broadcast_in_dim3A_51 = vector.broadcast %broadcast_in_dim3A_50 : f32 to vector<1x16xf32>
      %swap3A_52 = arith.constant 0 : index
      %swap3A_53 = arith.constant 0 : index
      %swap3A_54 = vector.load %arg8[%swap3A_52, %swap3A_53] : memref<1x16xf32, #tpu.memory_space<vmem>>, vector<1x16xf32>
      tpu.vector_store %arg8[%swap3A_52, %swap3A_53], %broadcast_in_dim3A_51 {strides = array<i32>} : memref<1x16xf32, #tpu.memory_space<vmem>>, vector<1x16xf32>,
      %broadcast_in_dim3A_55 = arith.constant 0.000000e+00 : f32
      %broadcast_in_dim3A_56 = vector.broadcast %broadcast_in_dim3A_55 : f32 to vector<16x16xf32>
      %swap3A_57 = arith.constant 0 : index
      %swap3A_58 = arith.constant 0 : index
      %swap3A_59 = vector.load %arg9[%swap3A_57, %swap3A_58] : memref<16x16xf32, #tpu.memory_space<vmem>>, vector<16x16xf32>
      tpu.vector_store %arg9[%swap3A_57, %swap3A_58], %broadcast_in_dim3A_56 {strides = array<i32>} : memref<16x16xf32, #tpu.memory_space<vmem>>, vector<16x16xf32>,
    } else {
    }
    %get3A = arith.constant 0 : index
    %get3A_4 = arith.constant 0 : index
    %get3A_5 = arith.constant 0 : index
    %get3A_6 = vector.load %arg2[%get3A, %get3A_4, %get3A_5] : memref<1x2000x128xf32, #tpu.memory_space<vmem>>, vector<1x2000x128xf32>
    %get3A_7 = vector.shape_cast %get3A_6 : vector<1x2000x128xf32> to vector<2000x128xf32>
    %get3A_8 = arith.constant 0 : index
    %get3A_9 = arith.constant 0 : index
    %get3A_10 = vector.load %arg3[%get3A_8, %get3A_9] : memref<2000x3xf32, #tpu.memory_space<vmem>>, vector<2000x3xf32>
    %slice3A = vector.extract_strided_slice %get3A_7 {offsets = [0, 0], sizes = [2000, 3], strides = [1, 1]} : vector<2000x128xf32> to vector<2000x3xf32>
    %sub3A = arith.subf %get3A_10, %slice3A : vector<2000x3xf32>
    %mul3A = arith.mulf %sub3A, %sub3A : vector<2000x3xf32>
    %reduce_sum3A = arith.constant dense<0.000000e+00> : vector<2000xf32>
    %reduce_sum3A_11 = vector.multi_reduction <add>, %mul3A, %reduce_sum3A [1] : vector<2000x3xf32> to vector<2000xf32>
    %broadcast_in_dim3A = vector.shape_cast %reduce_sum3A_11 : vector<2000xf32> to vector<2000x1xf32>
    %sqrt3A = math.sqrt %broadcast_in_dim3A : vector<2000x1xf32>
    %concatenate3A = tpu.concatenate %sqrt3A, %sub3A, %get3A_10, %slice3A in 1 : vector<2000x1xf32>, vector<2000x3xf32>, vector<2000x3xf32>, vector<2000x3xf32> -> vector<2000x10xf32>
    %get3A_12 = arith.constant 0 : index
    %get3A_13 = arith.constant 0 : index
    %get3A_14 = vector.load %arg4[%get3A_12, %get3A_13] : memref<10x8xf32, #tpu.memory_space<vmem>>, vector<10x8xf32>
    %dot_general3A = arith.constant dense<0.000000e+00> : vector<2000x8xf32>
    %dot_general3A_15 = tpu.matmul %concatenate3A, %get3A_14, %dot_general3A {dimension_numbers = #tpu.dot_dimension_numbers<[1], [0], [0], [1], [0, 0, 1, 1], [], []>, precision = #tpu.contract_precision<fp32>, transpose_lhs_hint = false} : vector<2000x10xf32>, vector<10x8xf32>, vector<2000x8xf32> -> vector<2000x8xf32>
    %get3A_16 = arith.constant 0 : index
    %get3A_17 = arith.constant 0 : index
    %get3A_18 = vector.load %arg5[%get3A_16, %get3A_17] : memref<1x8xf32, #tpu.memory_space<vmem>>, vector<1x8xf32>
    %add3A = vector.broadcast %get3A_18 : vector<1x8xf32> to vector<2000x8xf32>
    %add3A_19 = arith.addf %dot_general3A_15, %add3A : vector<2000x8xf32>
    %max3A = arith.constant 0.000000e+00 : f32
    %max3A_20 = vector.broadcast %max3A : f32 to vector<2000x8xf32>
    %max3A_21 = arith.maximumf %add3A_19, %max3A_20 : vector<2000x8xf32>
    %slice3A_22 = vector.extract_strided_slice %get3A_7 {offsets = [0, 3], sizes = [2000, 8], strides = [1, 1]} : vector<2000x128xf32> to vector<2000x8xf32>
    %concatenate3A_23 = tpu.concatenate %slice3A_22, %max3A_21 in 1 : vector<2000x8xf32>, vector<2000x8xf32> -> vector<2000x16xf32>
    %get3A_24 = arith.constant 0 : index
    %get3A_25 = arith.constant 0 : index
    %get3A_26 = vector.load %arg8[%get3A_24, %get3A_25] : memref<1x16xf32, #tpu.memory_space<vmem>>, vector<1x16xf32>
    %reduce_sum3A_27 = arith.constant dense<0.000000e+00> : vector<16xf32>
    %reduce_sum3A_28 = vector.multi_reduction <add>, %concatenate3A_23, %reduce_sum3A_27 [0] : vector<2000x16xf32> to vector<16xf32>
    %broadcast_in_dim3A_29 = vector.shape_cast %reduce_sum3A_28 : vector<16xf32> to vector<1x16xf32>
    %add3A_30 = arith.addf %get3A_26, %broadcast_in_dim3A_29 : vector<1x16xf32>
    %swap3A = arith.constant 0 : index
    %swap3A_31 = arith.constant 0 : index
    %swap3A_32 = vector.load %arg8[%swap3A, %swap3A_31] : memref<1x16xf32, #tpu.memory_space<vmem>>, vector<1x16xf32>
    tpu.vector_store %arg8[%swap3A, %swap3A_31], %add3A_30 {strides = array<i32>} : memref<1x16xf32, #tpu.memory_space<vmem>>, vector<1x16xf32>,
    %get3A_33 = arith.constant 0 : index
    %get3A_34 = arith.constant 0 : index
    %get3A_35 = vector.load %arg9[%get3A_33, %get3A_34] : memref<16x16xf32, #tpu.memory_space<vmem>>, vector<16x16xf32>
    %dot_general3A_36 = arith.constant dense<0.000000e+00> : vector<16x16xf32>
    %dot_general3A_37 = tpu.matmul %concatenate3A_23, %concatenate3A_23, %dot_general3A_36 {dimension_numbers = #tpu.dot_dimension_numbers<[0], [0], [1], [1], [0, 1, 1, 1], [], []>, precision = #tpu.contract_precision<fp32>, transpose_lhs_hint = false} : vector<2000x16xf32>, vector<2000x16xf32>, vector<16x16xf32> -> vector<16x16xf32>
    %add3A_38 = arith.addf %get3A_35, %dot_general3A_37 : vector<16x16xf32>
    %swap3A_39 = arith.constant 0 : index
    %swap3A_40 = arith.constant 0 : index
    %swap3A_41 = vector.load %arg9[%swap3A_39, %swap3A_40] : memref<16x16xf32, #tpu.memory_space<vmem>>, vector<16x16xf32>
    tpu.vector_store %arg9[%swap3A_39, %swap3A_40], %add3A_38 {strides = array<i32>} : memref<16x16xf32, #tpu.memory_space<vmem>>, vector<16x16xf32>,
    %eq3A_42 = arith.constant 49 : i32
    %eq3A_43 = arith.cmpi eq, %arg0, %eq3A_42 : i32
    %eq3A_44 = arith.constant 15 : i32
    %eq3A_45 = arith.cmpi eq, %arg1, %eq3A_44 : i32
    %and3A_46 = arith.andi %eq3A_43, %eq3A_45 : i1
    %convert_element_type3A_47 = arith.extui %and3A_46 : i1 to i32
    %cond3A_48 = arith.constant 0 : i32
    %cond3A_49 = arith.cmpi ne, %convert_element_type3A_47, %cond3A_48 : i32
    scf.if %cond3A_49 {
      %get3A_50 = arith.constant 0 : index
      %get3A_51 = arith.constant 0 : index
      %get3A_52 = vector.load %arg8[%get3A_50, %get3A_51] : memref<1x16xf32, #tpu.memory_space<vmem>>, vector<1x16xf32>
      %swap3A_53 = arith.constant 0 : index
      %swap3A_54 = arith.constant 0 : index
      %swap3A_55 = vector.load %arg6[%swap3A_53, %swap3A_54] : memref<1x16xf32, #tpu.memory_space<vmem>>, vector<1x16xf32>
      tpu.vector_store %arg6[%swap3A_53, %swap3A_54], %get3A_52 {strides = array<i32>} : memref<1x16xf32, #tpu.memory_space<vmem>>, vector<1x16xf32>,
      %get3A_56 = arith.constant 0 : index
      %get3A_57 = arith.constant 0 : index
      %get3A_58 = vector.load %arg9[%get3A_56, %get3A_57] : memref<16x16xf32, #tpu.memory_space<vmem>>, vector<16x16xf32>
      %swap3A_59 = arith.constant 0 : index
      %swap3A_60 = arith.constant 0 : index
      %swap3A_61 = vector.load %arg7[%swap3A_59, %swap3A_60] : memref<16x16xf32, #tpu.memory_space<vmem>>, vector<16x16xf32>
      tpu.vector_store %arg7[%swap3A_59, %swap3A_60], %get3A_58 {strides = array<i32>} : memref<16x16xf32, #tpu.memory_space<vmem>>, vector<16x16xf32>,
    } else {
    }
    return
  }
  func.func @transform_0(%arg0: i32, %arg1: i32) -> (i32, i32, i32) {
    %c0_i32 = arith.constant 0 : i32
    %c0_i32_0 = arith.constant 0 : i32
    return %arg1, %arg0, %c0_i32 : i32, i32, i32
  }
  func.func @transform_1(%arg0: i32, %arg1: i32) -> (i32, i32) {
    %c0_i32 = arith.constant 0 : i32
    %c0_i32_0 = arith.constant 0 : i32
    return %arg0, %c0_i32 : i32, i32
  }
  func.func @transform_2(%arg0: i32, %arg1: i32) -> (i32, i32) {
    %c0_i32 = arith.constant 0 : i32
    %c0_i32_0 = arith.constant 0 : i32
    %c0_i32_1 = arith.constant 0 : i32
    return %c0_i32, %c0_i32_0 : i32, i32
  }
  func.func @transform_3(%arg0: i32, %arg1: i32) -> (i32, i32) {
    %c0_i32 = arith.constant 0 : i32
    %c0_i32_0 = arith.constant 0 : i32
    %c0_i32_1 = arith.constant 0 : i32
    return %c0_i32, %c0_i32_0 : i32, i32
  }
  func.func @transform_4(%arg0: i32, %arg1: i32) -> (i32, i32) {
    %c0_i32 = arith.constant 0 : i32
    %c0_i32_0 = arith.constant 0 : i32
    %c0_i32_1 = arith.constant 0 : i32
    return %c0_i32, %c0_i32_0 : i32, i32
  }
  func.func @transform_5(%arg0: i32, %arg1: i32) -> (i32, i32) {
    %c0_i32 = arith.constant 0 : i32
    %c0_i32_0 = arith.constant 0 : i32
    %c0_i32_1 = arith.constant 0 : i32
    return %c0_i32, %c0_i32_0 : i32, i32
  }
}

module attributes {stable_mosaic.version = 14 : i64} {
  func.func @kfn(%arg0: i32, %arg1: i32, %arg2: memref<1x2000x128xf32, #tpu.memory_space<vmem>>, %arg3: memref<2000x3xf32, #tpu.memory_space<vmem>>, %arg4: memref<10x8xf32, #tpu.memory_space<vmem>>, %arg5: memref<1x8xf32, #tpu.memory_space<vmem>>, %arg6: memref<16x8xf32, #tpu.memory_space<vmem>>, %arg7: memref<1x8xf32, #tpu.memory_space<vmem>>, %arg8: memref<1x16xf32, #tpu.memory_space<smem>>, %arg9: memref<1x1xf32, #tpu.memory_space<smem>>, %arg10: memref<2000x8xf32, #tpu.memory_space<vmem>>, %arg11: memref<1x8xf32, #tpu.memory_space<vmem>>, %arg12: memref<8x8xf32, #tpu.memory_space<vmem>>, %arg13: memref<2000x8xf32, #tpu.memory_space<vmem>>, %arg14: memref<2000x8xf32, #tpu.memory_space<vmem>>, %arg15: memref<1x8xf32, #tpu.memory_space<vmem>>, %arg16: memref<8x8xf32, #tpu.memory_space<vmem>>) attributes {dimension_semantics = [#tpu.dimension_semantics<arbitrary>, #tpu.dimension_semantics<arbitrary>], iteration_bounds = array<i64: 50, 16>, scalar_prefetch = 0 : i64, scratch_operands = 4 : i64, tpu.core_type = #tpu.core_type<tc>, window_params = [{transform_indices = @transform_0, window_bounds = array<i64: 1, 2000, 128>}, {transform_indices = @transform_1, window_bounds = array<i64: 2000, 3>}, {pipeline_mode = #tpu.pipeline_mode<synchronous>, transform_indices = @transform_2, window_bounds = array<i64: 10, 8>}, {pipeline_mode = #tpu.pipeline_mode<synchronous>, transform_indices = @transform_3, window_bounds = array<i64: 1, 8>}, {pipeline_mode = #tpu.pipeline_mode<synchronous>, transform_indices = @transform_4, window_bounds = array<i64: 16, 8>}, {pipeline_mode = #tpu.pipeline_mode<synchronous>, transform_indices = @transform_5, window_bounds = array<i64: 1, 8>}, {transform_indices = @transform_6, window_bounds = array<i64: 1, 16>}, {transform_indices = @transform_7, window_bounds = array<i64: 1, 1>}, {transform_indices = @transform_8, window_bounds = array<i64: 2000, 8>}, {pipeline_mode = #tpu.pipeline_mode<synchronous>, transform_indices = @transform_9, window_bounds = array<i64: 1, 8>}, {pipeline_mode = #tpu.pipeline_mode<synchronous>, transform_indices = @transform_10, window_bounds = array<i64: 8, 8>}]} {
    %eq3A = arith.constant 0 : i32
    %eq3A_0 = arith.cmpi eq, %arg0, %eq3A : i32
    %eq3A_1 = arith.constant 0 : i32
    %eq3A_2 = arith.cmpi eq, %arg1, %eq3A_1 : i32
    %and3A = arith.andi %eq3A_0, %eq3A_2 : i1
    %convert_element_type3A = arith.extui %and3A : i1 to i32
    %cond3A = arith.constant 0 : i32
    %cond3A_3 = arith.cmpi ne, %convert_element_type3A, %cond3A : i32
    scf.if %cond3A_3 {
      %broadcast_in_dim3A_62 = arith.constant 0.000000e+00 : f32
      %broadcast_in_dim3A_63 = vector.broadcast %broadcast_in_dim3A_62 : f32 to vector<1x8xf32>
      %swap3A = arith.constant 0 : index
      %swap3A_64 = arith.constant 0 : index
      %swap3A_65 = vector.load %arg15[%swap3A, %swap3A_64] : memref<1x8xf32, #tpu.memory_space<vmem>>, vector<1x8xf32>
      tpu.vector_store %arg15[%swap3A, %swap3A_64], %broadcast_in_dim3A_63 {strides = array<i32>} : memref<1x8xf32, #tpu.memory_space<vmem>>, vector<1x8xf32>,
      %broadcast_in_dim3A_66 = arith.constant 0.000000e+00 : f32
      %broadcast_in_dim3A_67 = vector.broadcast %broadcast_in_dim3A_66 : f32 to vector<8x8xf32>
      %swap3A_68 = arith.constant 0 : index
      %swap3A_69 = arith.constant 0 : index
      %swap3A_70 = vector.load %arg16[%swap3A_68, %swap3A_69] : memref<8x8xf32, #tpu.memory_space<vmem>>, vector<8x8xf32>
      tpu.vector_store %arg16[%swap3A_68, %swap3A_69], %broadcast_in_dim3A_67 {strides = array<i32>} : memref<8x8xf32, #tpu.memory_space<vmem>>, vector<8x8xf32>,
    } else {
    }
    %get3A = arith.constant 0 : index
    %get3A_4 = arith.constant 0 : index
    %get3A_5 = arith.constant 0 : index
    %get3A_6 = vector.load %arg2[%get3A, %get3A_4, %get3A_5] : memref<1x2000x128xf32, #tpu.memory_space<vmem>>, vector<1x2000x128xf32>
    %get3A_7 = vector.shape_cast %get3A_6 : vector<1x2000x128xf32> to vector<2000x128xf32>
    %get3A_8 = arith.constant 0 : index
    %get3A_9 = arith.constant 0 : index
    %get3A_10 = vector.load %arg3[%get3A_8, %get3A_9] : memref<2000x3xf32, #tpu.memory_space<vmem>>, vector<2000x3xf32>
    %slice3A = vector.extract_strided_slice %get3A_7 {offsets = [0, 0], sizes = [2000, 3], strides = [1, 1]} : vector<2000x128xf32> to vector<2000x3xf32>
    %sub3A = arith.subf %get3A_10, %slice3A : vector<2000x3xf32>
    %mul3A = arith.mulf %sub3A, %sub3A : vector<2000x3xf32>
    %reduce_sum3A = arith.constant dense<0.000000e+00> : vector<2000xf32>
    %reduce_sum3A_11 = vector.multi_reduction <add>, %mul3A, %reduce_sum3A [1] : vector<2000x3xf32> to vector<2000xf32>
    %broadcast_in_dim3A = vector.shape_cast %reduce_sum3A_11 : vector<2000xf32> to vector<2000x1xf32>
    %sqrt3A = math.sqrt %broadcast_in_dim3A : vector<2000x1xf32>
    %concatenate3A = tpu.concatenate %sqrt3A, %sub3A, %get3A_10, %slice3A in 1 : vector<2000x1xf32>, vector<2000x3xf32>, vector<2000x3xf32>, vector<2000x3xf32> -> vector<2000x10xf32>
    %get3A_12 = arith.constant 0 : index
    %get3A_13 = arith.constant 0 : index
    %get3A_14 = vector.load %arg4[%get3A_12, %get3A_13] : memref<10x8xf32, #tpu.memory_space<vmem>>, vector<10x8xf32>
    %dot_general3A = arith.constant dense<0.000000e+00> : vector<2000x8xf32>
    %dot_general3A_15 = tpu.matmul %concatenate3A, %get3A_14, %dot_general3A {dimension_numbers = #tpu.dot_dimension_numbers<[1], [0], [0], [1], [0, 0, 1, 1], [], []>, precision = #tpu.contract_precision<fp32>, transpose_lhs_hint = false} : vector<2000x10xf32>, vector<10x8xf32>, vector<2000x8xf32> -> vector<2000x8xf32>
    %get3A_16 = arith.constant 0 : index
    %get3A_17 = arith.constant 0 : index
    %get3A_18 = vector.load %arg5[%get3A_16, %get3A_17] : memref<1x8xf32, #tpu.memory_space<vmem>>, vector<1x8xf32>
    %add3A = vector.broadcast %get3A_18 : vector<1x8xf32> to vector<2000x8xf32>
    %add3A_19 = arith.addf %dot_general3A_15, %add3A : vector<2000x8xf32>
    %max3A = arith.constant 0.000000e+00 : f32
    %max3A_20 = vector.broadcast %max3A : f32 to vector<2000x8xf32>
    %max3A_21 = arith.maximumf %add3A_19, %max3A_20 : vector<2000x8xf32>
    %slice3A_22 = vector.extract_strided_slice %get3A_7 {offsets = [0, 3], sizes = [2000, 8], strides = [1, 1]} : vector<2000x128xf32> to vector<2000x8xf32>
    %concatenate3A_23 = tpu.concatenate %slice3A_22, %max3A_21 in 1 : vector<2000x8xf32>, vector<2000x8xf32> -> vector<2000x16xf32>
    %get3A_24 = arith.constant 0 : index
    %get3A_25 = arith.constant 0 : index
    %get3A_26 = vector.load %arg6[%get3A_24, %get3A_25] : memref<16x8xf32, #tpu.memory_space<vmem>>, vector<16x8xf32>
    %dot_general3A_27 = arith.constant dense<0.000000e+00> : vector<2000x8xf32>
    %dot_general3A_28 = tpu.matmul %concatenate3A_23, %get3A_26, %dot_general3A_27 {dimension_numbers = #tpu.dot_dimension_numbers<[1], [0], [0], [1], [0, 0, 1, 1], [], []>, precision = #tpu.contract_precision<fp32>, transpose_lhs_hint = false} : vector<2000x16xf32>, vector<16x8xf32>, vector<2000x8xf32> -> vector<2000x8xf32>
    %get3A_29 = arith.constant 0 : index
    %get3A_30 = arith.constant 0 : index
    %get3A_31 = vector.load %arg7[%get3A_29, %get3A_30] : memref<1x8xf32, #tpu.memory_space<vmem>>, vector<1x8xf32>
    %add3A_32 = vector.broadcast %get3A_31 : vector<1x8xf32> to vector<2000x8xf32>
    %add3A_33 = arith.addf %dot_general3A_28, %add3A_32 : vector<2000x8xf32>
    %max3A_34 = arith.constant 0.000000e+00 : f32
    %max3A_35 = vector.broadcast %max3A_34 : f32 to vector<2000x8xf32>
    %max3A_36 = arith.maximumf %add3A_33, %max3A_35 : vector<2000x8xf32>
    %get3A_37 = arith.constant 0 : index
    %get3A_38 = arith.index_cast %arg1 : i32 to index
    %get3A_39 = memref.load %arg8[%get3A_37, %get3A_38] : memref<1x16xf32, #tpu.memory_space<smem>>
    %eq3A_40 = arith.constant 0 : i32
    %eq3A_41 = arith.cmpi eq, %arg1, %eq3A_40 : i32
    %convert_element_type3A_42 = arith.extui %eq3A_41 : i1 to i32
    %cond3A_43 = arith.constant 0 : i32
    %cond3A_44 = arith.cmpi ne, %convert_element_type3A_42, %cond3A_43 : i32
    scf.if %cond3A_44 {
      %swap3A = arith.constant 0 : index
      %swap3A_62 = arith.constant 0 : index
      %swap3A_63 = vector.load %arg13[%swap3A, %swap3A_62] : memref<2000x8xf32, #tpu.memory_space<vmem>>, vector<2000x8xf32>
      tpu.vector_store %arg13[%swap3A, %swap3A_62], %max3A_36 {strides = array<i32>} : memref<2000x8xf32, #tpu.memory_space<vmem>>, vector<2000x8xf32>,
      %mul3A_64 = vector.broadcast %get3A_39 : f32 to vector<2000x8xf32>
      %mul3A_65 = arith.mulf %max3A_36, %mul3A_64 : vector<2000x8xf32>
      %swap3A_66 = arith.constant 0 : index
      %swap3A_67 = arith.constant 0 : index
      %swap3A_68 = vector.load %arg14[%swap3A_66, %swap3A_67] : memref<2000x8xf32, #tpu.memory_space<vmem>>, vector<2000x8xf32>
      tpu.vector_store %arg14[%swap3A_66, %swap3A_67], %mul3A_65 {strides = array<i32>} : memref<2000x8xf32, #tpu.memory_space<vmem>>, vector<2000x8xf32>,
    } else {
    }
    %gt3A = arith.constant 0 : i32
    %gt3A_45 = arith.cmpi sgt, %arg1, %gt3A : i32
    %convert_element_type3A_46 = arith.extui %gt3A_45 : i1 to i32
    %cond3A_47 = arith.constant 0 : i32
    %cond3A_48 = arith.cmpi ne, %convert_element_type3A_46, %cond3A_47 : i32
    scf.if %cond3A_48 {
      %get3A_62 = arith.constant 0 : index
      %get3A_63 = arith.constant 0 : index
      %get3A_64 = vector.load %arg13[%get3A_62, %get3A_63] : memref<2000x8xf32, #tpu.memory_space<vmem>>, vector<2000x8xf32>
      %max3A_65 = arith.maximumf %get3A_64, %max3A_36 : vector<2000x8xf32>
      %swap3A = arith.constant 0 : index
      %swap3A_66 = arith.constant 0 : index
      %swap3A_67 = vector.load %arg13[%swap3A, %swap3A_66] : memref<2000x8xf32, #tpu.memory_space<vmem>>, vector<2000x8xf32>
      tpu.vector_store %arg13[%swap3A, %swap3A_66], %max3A_65 {strides = array<i32>} : memref<2000x8xf32, #tpu.memory_space<vmem>>, vector<2000x8xf32>,
      %get3A_68 = arith.constant 0 : index
      %get3A_69 = arith.constant 0 : index
      %get3A_70 = vector.load %arg14[%get3A_68, %get3A_69] : memref<2000x8xf32, #tpu.memory_space<vmem>>, vector<2000x8xf32>
      %mul3A_71 = vector.broadcast %get3A_39 : f32 to vector<2000x8xf32>
      %mul3A_72 = arith.mulf %max3A_36, %mul3A_71 : vector<2000x8xf32>
      %add3A_73 = arith.addf %get3A_70, %mul3A_72 : vector<2000x8xf32>
      %swap3A_74 = arith.constant 0 : index
      %swap3A_75 = arith.constant 0 : index
      %swap3A_76 = vector.load %arg14[%swap3A_74, %swap3A_75] : memref<2000x8xf32, #tpu.memory_space<vmem>>, vector<2000x8xf32>
      tpu.vector_store %arg14[%swap3A_74, %swap3A_75], %add3A_73 {strides = array<i32>} : memref<2000x8xf32, #tpu.memory_space<vmem>>, vector<2000x8xf32>,
    } else {
    }
    %eq3A_49 = arith.constant 15 : i32
    %eq3A_50 = arith.cmpi eq, %arg1, %eq3A_49 : i32
    %convert_element_type3A_51 = arith.extui %eq3A_50 : i1 to i32
    %cond3A_52 = arith.constant 0 : i32
    %cond3A_53 = arith.cmpi ne, %convert_element_type3A_51, %cond3A_52 : i32
    scf.if %cond3A_53 {
      %get3A_62 = arith.constant 0 : index
      %get3A_63 = arith.constant 0 : index
      %get3A_64 = vector.load %arg14[%get3A_62, %get3A_63] : memref<2000x8xf32, #tpu.memory_space<vmem>>, vector<2000x8xf32>
      %get3A_65 = arith.constant 0 : index
      %get3A_66 = arith.constant 0 : index
      %get3A_67 = memref.load %arg9[%get3A_65, %get3A_66] : memref<1x1xf32, #tpu.memory_space<smem>>
      %add3A_68 = vector.broadcast %get3A_67 : f32 to vector<2000x8xf32>
      %add3A_69 = arith.addf %get3A_64, %add3A_68 : vector<2000x8xf32>
      %reduce_max3A = arith.constant dense<0xFF800000> : vector<2000xf32>
      %reduce_max3A_70 = vector.multi_reduction <maximumf>, %add3A_69, %reduce_max3A [1] : vector<2000x8xf32> to vector<2000xf32>
      %broadcast_in_dim3A_71 = vector.shape_cast %reduce_max3A_70 : vector<2000xf32> to vector<2000x1xf32>
      %sub3A_72 = vector.broadcast %broadcast_in_dim3A_71 : vector<2000x1xf32> to vector<2000x8xf32>
      %sub3A_73 = arith.subf %add3A_69, %sub3A_72 : vector<2000x8xf32>
      %exp3A = math.exp %sub3A_73 : vector<2000x8xf32>
      %reduce_sum3A_74 = arith.constant dense<0.000000e+00> : vector<2000xf32>
      %reduce_sum3A_75 = vector.multi_reduction <add>, %exp3A, %reduce_sum3A_74 [1] : vector<2000x8xf32> to vector<2000xf32>
      %broadcast_in_dim3A_76 = vector.shape_cast %reduce_sum3A_75 : vector<2000xf32> to vector<2000x1xf32>
      %div3A = vector.broadcast %broadcast_in_dim3A_76 : vector<2000x1xf32> to vector<2000x8xf32>
      %div3A_77 = arith.divf %exp3A, %div3A : vector<2000x8xf32>
      %get3A_78 = arith.constant 0 : index
      %get3A_79 = arith.constant 0 : index
      %get3A_80 = vector.load %arg13[%get3A_78, %get3A_79] : memref<2000x8xf32, #tpu.memory_space<vmem>>, vector<2000x8xf32>
      %add3A_81 = arith.constant 1.000000e+00 : f32
      %add3A_82 = vector.broadcast %add3A_81 : f32 to vector<2000x8xf32>
      %add3A_83 = arith.addf %add3A_82, %div3A_77 : vector<2000x8xf32>
      %mul3A_84 = arith.mulf %get3A_80, %add3A_83 : vector<2000x8xf32>
      %swap3A = arith.constant 0 : index
      %swap3A_85 = arith.constant 0 : index
      %swap3A_86 = vector.load %arg10[%swap3A, %swap3A_85] : memref<2000x8xf32, #tpu.memory_space<vmem>>, vector<2000x8xf32>
      tpu.vector_store %arg10[%swap3A, %swap3A_85], %mul3A_84 {strides = array<i32>} : memref<2000x8xf32, #tpu.memory_space<vmem>>, vector<2000x8xf32>,
      %get3A_87 = arith.constant 0 : index
      %get3A_88 = arith.constant 0 : index
      %get3A_89 = vector.load %arg15[%get3A_87, %get3A_88] : memref<1x8xf32, #tpu.memory_space<vmem>>, vector<1x8xf32>
      %reduce_sum3A_90 = arith.constant dense<0.000000e+00> : vector<8xf32>
      %reduce_sum3A_91 = vector.multi_reduction <add>, %mul3A_84, %reduce_sum3A_90 [0] : vector<2000x8xf32> to vector<8xf32>
      %broadcast_in_dim3A_92 = vector.shape_cast %reduce_sum3A_91 : vector<8xf32> to vector<1x8xf32>
      %add3A_93 = arith.addf %get3A_89, %broadcast_in_dim3A_92 : vector<1x8xf32>
      %swap3A_94 = arith.constant 0 : index
      %swap3A_95 = arith.constant 0 : index
      %swap3A_96 = vector.load %arg15[%swap3A_94, %swap3A_95] : memref<1x8xf32, #tpu.memory_space<vmem>>, vector<1x8xf32>
      tpu.vector_store %arg15[%swap3A_94, %swap3A_95], %add3A_93 {strides = array<i32>} : memref<1x8xf32, #tpu.memory_space<vmem>>, vector<1x8xf32>,
      %get3A_97 = arith.constant 0 : index
      %get3A_98 = arith.constant 0 : index
      %get3A_99 = vector.load %arg16[%get3A_97, %get3A_98] : memref<8x8xf32, #tpu.memory_space<vmem>>, vector<8x8xf32>
      %dot_general3A_100 = arith.constant dense<0.000000e+00> : vector<8x8xf32>
      %dot_general3A_101 = tpu.matmul %mul3A_84, %mul3A_84, %dot_general3A_100 {dimension_numbers = #tpu.dot_dimension_numbers<[0], [0], [1], [1], [0, 1, 1, 1], [], []>, precision = #tpu.contract_precision<fp32>, transpose_lhs_hint = false} : vector<2000x8xf32>, vector<2000x8xf32>, vector<8x8xf32> -> vector<8x8xf32>
      %add3A_102 = arith.addf %get3A_99, %dot_general3A_101 : vector<8x8xf32>
      %swap3A_103 = arith.constant 0 : index
      %swap3A_104 = arith.constant 0 : index
      %swap3A_105 = vector.load %arg16[%swap3A_103, %swap3A_104] : memref<8x8xf32, #tpu.memory_space<vmem>>, vector<8x8xf32>
      tpu.vector_store %arg16[%swap3A_103, %swap3A_104], %add3A_102 {strides = array<i32>} : memref<8x8xf32, #tpu.memory_space<vmem>>, vector<8x8xf32>,
    } else {
    }
    %eq3A_54 = arith.constant 49 : i32
    %eq3A_55 = arith.cmpi eq, %arg0, %eq3A_54 : i32
    %eq3A_56 = arith.constant 15 : i32
    %eq3A_57 = arith.cmpi eq, %arg1, %eq3A_56 : i32
    %and3A_58 = arith.andi %eq3A_55, %eq3A_57 : i1
    %convert_element_type3A_59 = arith.extui %and3A_58 : i1 to i32
    %cond3A_60 = arith.constant 0 : i32
    %cond3A_61 = arith.cmpi ne, %convert_element_type3A_59, %cond3A_60 : i32
    scf.if %cond3A_61 {
      %get3A_62 = arith.constant 0 : index
      %get3A_63 = arith.constant 0 : index
      %get3A_64 = vector.load %arg15[%get3A_62, %get3A_63] : memref<1x8xf32, #tpu.memory_space<vmem>>, vector<1x8xf32>
      %swap3A = arith.constant 0 : index
      %swap3A_65 = arith.constant 0 : index
      %swap3A_66 = vector.load %arg11[%swap3A, %swap3A_65] : memref<1x8xf32, #tpu.memory_space<vmem>>, vector<1x8xf32>
      tpu.vector_store %arg11[%swap3A, %swap3A_65], %get3A_64 {strides = array<i32>} : memref<1x8xf32, #tpu.memory_space<vmem>>, vector<1x8xf32>,
      %get3A_67 = arith.constant 0 : index
      %get3A_68 = arith.constant 0 : index
      %get3A_69 = vector.load %arg16[%get3A_67, %get3A_68] : memref<8x8xf32, #tpu.memory_space<vmem>>, vector<8x8xf32>
      %swap3A_70 = arith.constant 0 : index
      %swap3A_71 = arith.constant 0 : index
      %swap3A_72 = vector.load %arg12[%swap3A_70, %swap3A_71] : memref<8x8xf32, #tpu.memory_space<vmem>>, vector<8x8xf32>
      tpu.vector_store %arg12[%swap3A_70, %swap3A_71], %get3A_69 {strides = array<i32>} : memref<8x8xf32, #tpu.memory_space<vmem>>, vector<8x8xf32>,
    } else {
    }
    return
  }
  func.func @transform_0(%arg0: i32, %arg1: i32) -> (i32, i32, i32) {
    %c0_i32 = arith.constant 0 : i32
    %c0_i32_0 = arith.constant 0 : i32
    return %arg1, %arg0, %c0_i32 : i32, i32, i32
  }
  func.func @transform_1(%arg0: i32, %arg1: i32) -> (i32, i32) {
    %c0_i32 = arith.constant 0 : i32
    %c0_i32_0 = arith.constant 0 : i32
    return %arg0, %c0_i32 : i32, i32
  }
  func.func @transform_2(%arg0: i32, %arg1: i32) -> (i32, i32) {
    %c0_i32 = arith.constant 0 : i32
    %c0_i32_0 = arith.constant 0 : i32
    %c0_i32_1 = arith.constant 0 : i32
    return %c0_i32, %c0_i32_0 : i32, i32
  }
  func.func @transform_3(%arg0: i32, %arg1: i32) -> (i32, i32) {
    %c0_i32 = arith.constant 0 : i32
    %c0_i32_0 = arith.constant 0 : i32
    %c0_i32_1 = arith.constant 0 : i32
    return %c0_i32, %c0_i32_0 : i32, i32
  }
  func.func @transform_4(%arg0: i32, %arg1: i32) -> (i32, i32) {
    %c0_i32 = arith.constant 0 : i32
    %c0_i32_0 = arith.constant 0 : i32
    %c0_i32_1 = arith.constant 0 : i32
    return %c0_i32, %c0_i32_0 : i32, i32
  }
  func.func @transform_5(%arg0: i32, %arg1: i32) -> (i32, i32) {
    %c0_i32 = arith.constant 0 : i32
    %c0_i32_0 = arith.constant 0 : i32
    %c0_i32_1 = arith.constant 0 : i32
    return %c0_i32, %c0_i32_0 : i32, i32
  }
  func.func @transform_6(%arg0: i32, %arg1: i32) -> (i32, i32) {
    %c0_i32 = arith.constant 0 : i32
    %c0_i32_0 = arith.constant 0 : i32
    %c0_i32_1 = arith.constant 0 : i32
    return %c0_i32, %c0_i32_0 : i32, i32
  }
  func.func @transform_7(%arg0: i32, %arg1: i32) -> (i32, i32) {
    %c0_i32 = arith.constant 0 : i32
    %c0_i32_0 = arith.constant 0 : i32
    %c0_i32_1 = arith.constant 0 : i32
    return %c0_i32, %c0_i32_0 : i32, i32
  }
  func.func @transform_8(%arg0: i32, %arg1: i32) -> (i32, i32) {
    %c0_i32 = arith.constant 0 : i32
    %c0_i32_0 = arith.constant 0 : i32
    return %arg0, %c0_i32 : i32, i32
  }
  func.func @transform_9(%arg0: i32, %arg1: i32) -> (i32, i32) {
    %c0_i32 = arith.constant 0 : i32
    %c0_i32_0 = arith.constant 0 : i32
    %c0_i32_1 = arith.constant 0 : i32
    return %c0_i32, %c0_i32_0 : i32, i32
  }
  func.func @transform_10(%arg0: i32, %arg1: i32) -> (i32, i32) {
    %c0_i32 = arith.constant 0 : i32
    %c0_i32_0 = arith.constant 0 : i32
    %c0_i32_1 = arith.constant 0 : i32
    return %c0_i32, %c0_i32_0 : i32, i32
  }
}

module attributes {stable_mosaic.version = 14 : i64} {
  func.func @kfn(%arg0: i32, %arg1: memref<2000x8xf32, #tpu.memory_space<vmem>>, %arg2: memref<1x8xf32, #tpu.memory_space<vmem>>, %arg3: memref<8x8xf32, #tpu.memory_space<vmem>>, %arg4: memref<1x8xf32, #tpu.memory_space<vmem>>, %arg5: memref<8x8xf32, #tpu.memory_space<vmem>>) attributes {dimension_semantics = [#tpu.dimension_semantics<arbitrary>], iteration_bounds = array<i64: 50>, scalar_prefetch = 0 : i64, scratch_operands = 2 : i64, tpu.core_type = #tpu.core_type<tc>, window_params = [{transform_indices = @transform_0, window_bounds = array<i64: 2000, 8>}, {pipeline_mode = #tpu.pipeline_mode<synchronous>, transform_indices = @transform_1, window_bounds = array<i64: 1, 8>}, {pipeline_mode = #tpu.pipeline_mode<synchronous>, transform_indices = @transform_2, window_bounds = array<i64: 8, 8>}]} {
    %eq3A = arith.constant 0 : i32
    %eq3A_0 = arith.cmpi eq, %arg0, %eq3A : i32
    %convert_element_type3A = arith.extui %eq3A_0 : i1 to i32
    %cond3A = arith.constant 0 : i32
    %cond3A_1 = arith.cmpi ne, %convert_element_type3A, %cond3A : i32
    scf.if %cond3A_1 {
      %broadcast_in_dim3A_23 = arith.constant 0.000000e+00 : f32
      %broadcast_in_dim3A_24 = vector.broadcast %broadcast_in_dim3A_23 : f32 to vector<1x8xf32>
      %swap3A_25 = arith.constant 0 : index
      %swap3A_26 = arith.constant 0 : index
      %swap3A_27 = vector.load %arg4[%swap3A_25, %swap3A_26] : memref<1x8xf32, #tpu.memory_space<vmem>>, vector<1x8xf32>
      tpu.vector_store %arg4[%swap3A_25, %swap3A_26], %broadcast_in_dim3A_24 {strides = array<i32>} : memref<1x8xf32, #tpu.memory_space<vmem>>, vector<1x8xf32>,
      %broadcast_in_dim3A_28 = arith.constant 0.000000e+00 : f32
      %broadcast_in_dim3A_29 = vector.broadcast %broadcast_in_dim3A_28 : f32 to vector<8x8xf32>
      %swap3A_30 = arith.constant 0 : index
      %swap3A_31 = arith.constant 0 : index
      %swap3A_32 = vector.load %arg5[%swap3A_30, %swap3A_31] : memref<8x8xf32, #tpu.memory_space<vmem>>, vector<8x8xf32>
      tpu.vector_store %arg5[%swap3A_30, %swap3A_31], %broadcast_in_dim3A_29 {strides = array<i32>} : memref<8x8xf32, #tpu.memory_space<vmem>>, vector<8x8xf32>,
    } else {
    }
    %get3A = arith.constant 0 : index
    %get3A_2 = arith.constant 0 : index
    %get3A_3 = vector.load %arg1[%get3A, %get3A_2] : memref<2000x8xf32, #tpu.memory_space<vmem>>, vector<2000x8xf32>
    %get3A_4 = arith.constant 0 : index
    %get3A_5 = arith.constant 0 : index
    %get3A_6 = vector.load %arg4[%get3A_4, %get3A_5] : memref<1x8xf32, #tpu.memory_space<vmem>>, vector<1x8xf32>
    %reduce_sum3A = arith.constant dense<0.000000e+00> : vector<8xf32>
    %reduce_sum3A_7 = vector.multi_reduction <add>, %get3A_3, %reduce_sum3A [0] : vector<2000x8xf32> to vector<8xf32>
    %broadcast_in_dim3A = vector.shape_cast %reduce_sum3A_7 : vector<8xf32> to vector<1x8xf32>
    %add3A = arith.addf %get3A_6, %broadcast_in_dim3A : vector<1x8xf32>
    %swap3A = arith.constant 0 : index
    %swap3A_8 = arith.constant 0 : index
    %swap3A_9 = vector.load %arg4[%swap3A, %swap3A_8] : memref<1x8xf32, #tpu.memory_space<vmem>>, vector<1x8xf32>
    tpu.vector_store %arg4[%swap3A, %swap3A_8], %add3A {strides = array<i32>} : memref<1x8xf32, #tpu.memory_space<vmem>>, vector<1x8xf32>,
    %get3A_10 = arith.constant 0 : index
    %get3A_11 = arith.constant 0 : index
    %get3A_12 = vector.load %arg5[%get3A_10, %get3A_11] : memref<8x8xf32, #tpu.memory_space<vmem>>, vector<8x8xf32>
    %dot_general3A = arith.constant dense<0.000000e+00> : vector<8x8xf32>
    %dot_general3A_13 = tpu.matmul %get3A_3, %get3A_3, %dot_general3A {dimension_numbers = #tpu.dot_dimension_numbers<[0], [0], [1], [1], [0, 1, 1, 1], [], []>, precision = #tpu.contract_precision<fp32>, transpose_lhs_hint = false} : vector<2000x8xf32>, vector<2000x8xf32>, vector<8x8xf32> -> vector<8x8xf32>
    %add3A_14 = arith.addf %get3A_12, %dot_general3A_13 : vector<8x8xf32>
    %swap3A_15 = arith.constant 0 : index
    %swap3A_16 = arith.constant 0 : index
    %swap3A_17 = vector.load %arg5[%swap3A_15, %swap3A_16] : memref<8x8xf32, #tpu.memory_space<vmem>>, vector<8x8xf32>
    tpu.vector_store %arg5[%swap3A_15, %swap3A_16], %add3A_14 {strides = array<i32>} : memref<8x8xf32, #tpu.memory_space<vmem>>, vector<8x8xf32>,
    %eq3A_18 = arith.constant 49 : i32
    %eq3A_19 = arith.cmpi eq, %arg0, %eq3A_18 : i32
    %convert_element_type3A_20 = arith.extui %eq3A_19 : i1 to i32
    %cond3A_21 = arith.constant 0 : i32
    %cond3A_22 = arith.cmpi ne, %convert_element_type3A_20, %cond3A_21 : i32
    scf.if %cond3A_22 {
      %get3A_23 = arith.constant 0 : index
      %get3A_24 = arith.constant 0 : index
      %get3A_25 = vector.load %arg4[%get3A_23, %get3A_24] : memref<1x8xf32, #tpu.memory_space<vmem>>, vector<1x8xf32>
      %swap3A_26 = arith.constant 0 : index
      %swap3A_27 = arith.constant 0 : index
      %swap3A_28 = vector.load %arg2[%swap3A_26, %swap3A_27] : memref<1x8xf32, #tpu.memory_space<vmem>>, vector<1x8xf32>
      tpu.vector_store %arg2[%swap3A_26, %swap3A_27], %get3A_25 {strides = array<i32>} : memref<1x8xf32, #tpu.memory_space<vmem>>, vector<1x8xf32>,
      %get3A_29 = arith.constant 0 : index
      %get3A_30 = arith.constant 0 : index
      %get3A_31 = vector.load %arg5[%get3A_29, %get3A_30] : memref<8x8xf32, #tpu.memory_space<vmem>>, vector<8x8xf32>
      %swap3A_32 = arith.constant 0 : index
      %swap3A_33 = arith.constant 0 : index
      %swap3A_34 = vector.load %arg3[%swap3A_32, %swap3A_33] : memref<8x8xf32, #tpu.memory_space<vmem>>, vector<8x8xf32>
      tpu.vector_store %arg3[%swap3A_32, %swap3A_33], %get3A_31 {strides = array<i32>} : memref<8x8xf32, #tpu.memory_space<vmem>>, vector<8x8xf32>,
    } else {
    }
    return
  }
  func.func @transform_0(%arg0: i32) -> (i32, i32) {
    %c0_i32 = arith.constant 0 : i32
    %c0_i32_0 = arith.constant 0 : i32
    return %arg0, %c0_i32 : i32, i32
  }
  func.func @transform_1(%arg0: i32) -> (i32, i32) {
    %c0_i32 = arith.constant 0 : i32
    %c0_i32_0 = arith.constant 0 : i32
    %c0_i32_1 = arith.constant 0 : i32
    return %c0_i32, %c0_i32_0 : i32, i32
  }
  func.func @transform_2(%arg0: i32) -> (i32, i32) {
    %c0_i32 = arith.constant 0 : i32
    %c0_i32_0 = arith.constant 0 : i32
    %c0_i32_1 = arith.constant 0 : i32
    return %c0_i32, %c0_i32_0 : i32, i32
  }
}

module attributes {stable_mosaic.version = 14 : i64} {
  func.func @kfn(%arg0: i32, %arg1: memref<2000x8xf32, #tpu.memory_space<vmem>>, %arg2: memref<1x8xf32, #tpu.memory_space<vmem>>, %arg3: memref<8x8xf32, #tpu.memory_space<vmem>>, %arg4: memref<8x8xf32, #tpu.memory_space<vmem>>) attributes {dimension_semantics = [#tpu.dimension_semantics<arbitrary>], iteration_bounds = array<i64: 50>, scalar_prefetch = 0 : i64, scratch_operands = 1 : i64, tpu.core_type = #tpu.core_type<tc>, window_params = [{transform_indices = @transform_0, window_bounds = array<i64: 2000, 8>}, {pipeline_mode = #tpu.pipeline_mode<synchronous>, transform_indices = @transform_1, window_bounds = array<i64: 1, 8>}, {pipeline_mode = #tpu.pipeline_mode<synchronous>, transform_indices = @transform_2, window_bounds = array<i64: 8, 8>}]} {
    %eq3A = arith.constant 0 : i32
    %eq3A_0 = arith.cmpi eq, %arg0, %eq3A : i32
    %convert_element_type3A = arith.extui %eq3A_0 : i1 to i32
    %cond3A = arith.constant 0 : i32
    %cond3A_1 = arith.cmpi ne, %convert_element_type3A, %cond3A : i32
    scf.if %cond3A_1 {
      %broadcast_in_dim3A = arith.constant 0.000000e+00 : f32
      %broadcast_in_dim3A_19 = vector.broadcast %broadcast_in_dim3A : f32 to vector<8x8xf32>
      %swap3A_20 = arith.constant 0 : index
      %swap3A_21 = arith.constant 0 : index
      %swap3A_22 = vector.load %arg4[%swap3A_20, %swap3A_21] : memref<8x8xf32, #tpu.memory_space<vmem>>, vector<8x8xf32>
      tpu.vector_store %arg4[%swap3A_20, %swap3A_21], %broadcast_in_dim3A_19 {strides = array<i32>} : memref<8x8xf32, #tpu.memory_space<vmem>>, vector<8x8xf32>,
    } else {
    }
    %get3A = arith.constant 0 : index
    %get3A_2 = arith.constant 0 : index
    %get3A_3 = vector.load %arg1[%get3A, %get3A_2] : memref<2000x8xf32, #tpu.memory_space<vmem>>, vector<2000x8xf32>
    %get3A_4 = arith.constant 0 : index
    %get3A_5 = arith.constant 0 : index
    %get3A_6 = vector.load %arg2[%get3A_4, %get3A_5] : memref<1x8xf32, #tpu.memory_space<vmem>>, vector<1x8xf32>
    %sub3A = vector.broadcast %get3A_6 : vector<1x8xf32> to vector<2000x8xf32>
    %sub3A_7 = arith.subf %get3A_3, %sub3A : vector<2000x8xf32>
    %get3A_8 = arith.constant 0 : index
    %get3A_9 = arith.constant 0 : index
    %get3A_10 = vector.load %arg4[%get3A_8, %get3A_9] : memref<8x8xf32, #tpu.memory_space<vmem>>, vector<8x8xf32>
    %dot_general3A = arith.constant dense<0.000000e+00> : vector<8x8xf32>
    %dot_general3A_11 = tpu.matmul %sub3A_7, %sub3A_7, %dot_general3A {dimension_numbers = #tpu.dot_dimension_numbers<[0], [0], [1], [1], [0, 1, 1, 1], [], []>, precision = #tpu.contract_precision<fp32>, transpose_lhs_hint = false} : vector<2000x8xf32>, vector<2000x8xf32>, vector<8x8xf32> -> vector<8x8xf32>
    %add3A = arith.addf %get3A_10, %dot_general3A_11 : vector<8x8xf32>
    %swap3A = arith.constant 0 : index
    %swap3A_12 = arith.constant 0 : index
    %swap3A_13 = vector.load %arg4[%swap3A, %swap3A_12] : memref<8x8xf32, #tpu.memory_space<vmem>>, vector<8x8xf32>
    tpu.vector_store %arg4[%swap3A, %swap3A_12], %add3A {strides = array<i32>} : memref<8x8xf32, #tpu.memory_space<vmem>>, vector<8x8xf32>,
    %eq3A_14 = arith.constant 49 : i32
    %eq3A_15 = arith.cmpi eq, %arg0, %eq3A_14 : i32
    %convert_element_type3A_16 = arith.extui %eq3A_15 : i1 to i32
    %cond3A_17 = arith.constant 0 : i32
    %cond3A_18 = arith.cmpi ne, %convert_element_type3A_16, %cond3A_17 : i32
    scf.if %cond3A_18 {
      %get3A_19 = arith.constant 0 : index
      %get3A_20 = arith.constant 0 : index
      %get3A_21 = vector.load %arg4[%get3A_19, %get3A_20] : memref<8x8xf32, #tpu.memory_space<vmem>>, vector<8x8xf32>
      %swap3A_22 = arith.constant 0 : index
      %swap3A_23 = arith.constant 0 : index
      %swap3A_24 = vector.load %arg3[%swap3A_22, %swap3A_23] : memref<8x8xf32, #tpu.memory_space<vmem>>, vector<8x8xf32>
      tpu.vector_store %arg3[%swap3A_22, %swap3A_23], %get3A_21 {strides = array<i32>} : memref<8x8xf32, #tpu.memory_space<vmem>>, vector<8x8xf32>,
    } else {
    }
    return
  }
  func.func @transform_0(%arg0: i32) -> (i32, i32) {
    %c0_i32 = arith.constant 0 : i32
    %c0_i32_0 = arith.constant 0 : i32
    return %arg0, %c0_i32 : i32, i32
  }
  func.func @transform_1(%arg0: i32) -> (i32, i32) {
    %c0_i32 = arith.constant 0 : i32
    %c0_i32_0 = arith.constant 0 : i32
    %c0_i32_1 = arith.constant 0 : i32
    return %c0_i32, %c0_i32_0 : i32, i32
  }
  func.func @transform_2(%arg0: i32) -> (i32, i32) {
    %c0_i32 = arith.constant 0 : i32
    %c0_i32_0 = arith.constant 0 : i32
    %c0_i32_1 = arith.constant 0 : i32
    return %c0_i32, %c0_i32_0 : i32, i32
  }
}

module attributes {stable_mosaic.version = 14 : i64} {
  func.func @kfn(%arg0: i32, %arg1: memref<2000x8xf32, #tpu.memory_space<vmem>>, %arg2: memref<2000x16xf32, #tpu.memory_space<vmem>>, %arg3: memref<8x32xf32, #tpu.memory_space<vmem>>, %arg4: memref<1x32xf32, #tpu.memory_space<vmem>>, %arg5: memref<16x32xf32, #tpu.memory_space<vmem>>, %arg6: memref<1x32xf32, #tpu.memory_space<vmem>>, %arg7: memref<2000x32xf32, #tpu.memory_space<vmem>>, %arg8: memref<1x32xf32, #tpu.memory_space<vmem>>, %arg9: memref<32x32xf32, #tpu.memory_space<vmem>>, %arg10: memref<1x32xf32, #tpu.memory_space<vmem>>, %arg11: memref<32x32xf32, #tpu.memory_space<vmem>>) attributes {dimension_semantics = [#tpu.dimension_semantics<arbitrary>], iteration_bounds = array<i64: 50>, scalar_prefetch = 0 : i64, scratch_operands = 2 : i64, tpu.core_type = #tpu.core_type<tc>, window_params = [{transform_indices = @transform_0, window_bounds = array<i64: 2000, 8>}, {transform_indices = @transform_1, window_bounds = array<i64: 2000, 16>}, {pipeline_mode = #tpu.pipeline_mode<synchronous>, transform_indices = @transform_2, window_bounds = array<i64: 8, 32>}, {pipeline_mode = #tpu.pipeline_mode<synchronous>, transform_indices = @transform_3, window_bounds = array<i64: 1, 32>}, {pipeline_mode = #tpu.pipeline_mode<synchronous>, transform_indices = @transform_4, window_bounds = array<i64: 16, 32>}, {pipeline_mode = #tpu.pipeline_mode<synchronous>, transform_indices = @transform_5, window_bounds = array<i64: 1, 32>}, {transform_indices = @transform_6, window_bounds = array<i64: 2000, 32>}, {pipeline_mode = #tpu.pipeline_mode<synchronous>, transform_indices = @transform_7, window_bounds = array<i64: 1, 32>}, {pipeline_mode = #tpu.pipeline_mode<synchronous>, transform_indices = @transform_8, window_bounds = array<i64: 32, 32>}]} {
    %eq3A = arith.constant 0 : i32
    %eq3A_0 = arith.cmpi eq, %arg0, %eq3A : i32
    %convert_element_type3A = arith.extui %eq3A_0 : i1 to i32
    %cond3A = arith.constant 0 : i32
    %cond3A_1 = arith.cmpi ne, %convert_element_type3A, %cond3A : i32
    scf.if %cond3A_1 {
      %broadcast_in_dim3A_55 = arith.constant 0.000000e+00 : f32
      %broadcast_in_dim3A_56 = vector.broadcast %broadcast_in_dim3A_55 : f32 to vector<1x32xf32>
      %swap3A_57 = arith.constant 0 : index
      %swap3A_58 = arith.constant 0 : index
      %swap3A_59 = vector.load %arg10[%swap3A_57, %swap3A_58] : memref<1x32xf32, #tpu.memory_space<vmem>>, vector<1x32xf32>
      tpu.vector_store %arg10[%swap3A_57, %swap3A_58], %broadcast_in_dim3A_56 {strides = array<i32>} : memref<1x32xf32, #tpu.memory_space<vmem>>, vector<1x32xf32>,
      %broadcast_in_dim3A_60 = arith.constant 0.000000e+00 : f32
      %broadcast_in_dim3A_61 = vector.broadcast %broadcast_in_dim3A_60 : f32 to vector<32x32xf32>
      %swap3A_62 = arith.constant 0 : index
      %swap3A_63 = arith.constant 0 : index
      %swap3A_64 = vector.load %arg11[%swap3A_62, %swap3A_63] : memref<32x32xf32, #tpu.memory_space<vmem>>, vector<32x32xf32>
      tpu.vector_store %arg11[%swap3A_62, %swap3A_63], %broadcast_in_dim3A_61 {strides = array<i32>} : memref<32x32xf32, #tpu.memory_space<vmem>>, vector<32x32xf32>,
    } else {
    }
    %get3A = arith.constant 0 : index
    %get3A_2 = arith.constant 0 : index
    %get3A_3 = vector.load %arg1[%get3A, %get3A_2] : memref<2000x8xf32, #tpu.memory_space<vmem>>, vector<2000x8xf32>
    %get3A_4 = arith.constant 0 : index
    %get3A_5 = arith.constant 0 : index
    %get3A_6 = vector.load %arg3[%get3A_4, %get3A_5] : memref<8x32xf32, #tpu.memory_space<vmem>>, vector<8x32xf32>
    %dot_general3A = arith.constant dense<0.000000e+00> : vector<2000x32xf32>
    %dot_general3A_7 = tpu.matmul %get3A_3, %get3A_6, %dot_general3A {dimension_numbers = #tpu.dot_dimension_numbers<[1], [0], [0], [1], [0, 0, 1, 1], [], []>, precision = #tpu.contract_precision<fp32>, transpose_lhs_hint = false} : vector<2000x8xf32>, vector<8x32xf32>, vector<2000x32xf32> -> vector<2000x32xf32>
    %get3A_8 = arith.constant 0 : index
    %get3A_9 = arith.constant 0 : index
    %get3A_10 = vector.load %arg4[%get3A_8, %get3A_9] : memref<1x32xf32, #tpu.memory_space<vmem>>, vector<1x32xf32>
    %add3A = vector.broadcast %get3A_10 : vector<1x32xf32> to vector<2000x32xf32>
    %add3A_11 = arith.addf %dot_general3A_7, %add3A : vector<2000x32xf32>
    %max3A = arith.constant 0.000000e+00 : f32
    %max3A_12 = vector.broadcast %max3A : f32 to vector<2000x32xf32>
    %max3A_13 = arith.maximumf %add3A_11, %max3A_12 : vector<2000x32xf32>
    %get3A_14 = arith.constant 0 : index
    %get3A_15 = arith.constant 0 : index
    %get3A_16 = vector.load %arg2[%get3A_14, %get3A_15] : memref<2000x16xf32, #tpu.memory_space<vmem>>, vector<2000x16xf32>
    %get3A_17 = arith.constant 0 : index
    %get3A_18 = arith.constant 0 : index
    %get3A_19 = vector.load %arg5[%get3A_17, %get3A_18] : memref<16x32xf32, #tpu.memory_space<vmem>>, vector<16x32xf32>
    %dot_general3A_20 = arith.constant dense<0.000000e+00> : vector<2000x32xf32>
    %dot_general3A_21 = tpu.matmul %get3A_16, %get3A_19, %dot_general3A_20 {dimension_numbers = #tpu.dot_dimension_numbers<[1], [0], [0], [1], [0, 0, 1, 1], [], []>, precision = #tpu.contract_precision<fp32>, transpose_lhs_hint = false} : vector<2000x16xf32>, vector<16x32xf32>, vector<2000x32xf32> -> vector<2000x32xf32>
    %get3A_22 = arith.constant 0 : index
    %get3A_23 = arith.constant 0 : index
    %get3A_24 = vector.load %arg6[%get3A_22, %get3A_23] : memref<1x32xf32, #tpu.memory_space<vmem>>, vector<1x32xf32>
    %add3A_25 = vector.broadcast %get3A_24 : vector<1x32xf32> to vector<2000x32xf32>
    %add3A_26 = arith.addf %dot_general3A_21, %add3A_25 : vector<2000x32xf32>
    %max3A_27 = arith.constant 0.000000e+00 : f32
    %max3A_28 = vector.broadcast %max3A_27 : f32 to vector<2000x32xf32>
    %max3A_29 = arith.maximumf %add3A_26, %max3A_28 : vector<2000x32xf32>
    %add3A_30 = arith.addf %max3A_13, %max3A_29 : vector<2000x32xf32>
    %swap3A = arith.constant 0 : index
    %swap3A_31 = arith.constant 0 : index
    %swap3A_32 = vector.load %arg7[%swap3A, %swap3A_31] : memref<2000x32xf32, #tpu.memory_space<vmem>>, vector<2000x32xf32>
    tpu.vector_store %arg7[%swap3A, %swap3A_31], %add3A_30 {strides = array<i32>} : memref<2000x32xf32, #tpu.memory_space<vmem>>, vector<2000x32xf32>,
    %get3A_33 = arith.constant 0 : index
    %get3A_34 = arith.constant 0 : index
    %get3A_35 = vector.load %arg10[%get3A_33, %get3A_34] : memref<1x32xf32, #tpu.memory_space<vmem>>, vector<1x32xf32>
    %reduce_sum3A = arith.constant dense<0.000000e+00> : vector<32xf32>
    %reduce_sum3A_36 = vector.multi_reduction <add>, %add3A_30, %reduce_sum3A [0] : vector<2000x32xf32> to vector<32xf32>
    %broadcast_in_dim3A = vector.shape_cast %reduce_sum3A_36 : vector<32xf32> to vector<1x32xf32>
    %add3A_37 = arith.addf %get3A_35, %broadcast_in_dim3A : vector<1x32xf32>
    %swap3A_38 = arith.constant 0 : index
    %swap3A_39 = arith.constant 0 : index
    %swap3A_40 = vector.load %arg10[%swap3A_38, %swap3A_39] : memref<1x32xf32, #tpu.memory_space<vmem>>, vector<1x32xf32>
    tpu.vector_store %arg10[%swap3A_38, %swap3A_39], %add3A_37 {strides = array<i32>} : memref<1x32xf32, #tpu.memory_space<vmem>>, vector<1x32xf32>,
    %get3A_41 = arith.constant 0 : index
    %get3A_42 = arith.constant 0 : index
    %get3A_43 = vector.load %arg11[%get3A_41, %get3A_42] : memref<32x32xf32, #tpu.memory_space<vmem>>, vector<32x32xf32>
    %dot_general3A_44 = arith.constant dense<0.000000e+00> : vector<32x32xf32>
    %dot_general3A_45 = tpu.matmul %add3A_30, %add3A_30, %dot_general3A_44 {dimension_numbers = #tpu.dot_dimension_numbers<[0], [0], [1], [1], [0, 1, 1, 1], [], []>, precision = #tpu.contract_precision<fp32>, transpose_lhs_hint = false} : vector<2000x32xf32>, vector<2000x32xf32>, vector<32x32xf32> -> vector<32x32xf32>
    %add3A_46 = arith.addf %get3A_43, %dot_general3A_45 : vector<32x32xf32>
    %swap3A_47 = arith.constant 0 : index
    %swap3A_48 = arith.constant 0 : index
    %swap3A_49 = vector.load %arg11[%swap3A_47, %swap3A_48] : memref<32x32xf32, #tpu.memory_space<vmem>>, vector<32x32xf32>
    tpu.vector_store %arg11[%swap3A_47, %swap3A_48], %add3A_46 {strides = array<i32>} : memref<32x32xf32, #tpu.memory_space<vmem>>, vector<32x32xf32>,
    %eq3A_50 = arith.constant 49 : i32
    %eq3A_51 = arith.cmpi eq, %arg0, %eq3A_50 : i32
    %convert_element_type3A_52 = arith.extui %eq3A_51 : i1 to i32
    %cond3A_53 = arith.constant 0 : i32
    %cond3A_54 = arith.cmpi ne, %convert_element_type3A_52, %cond3A_53 : i32
    scf.if %cond3A_54 {
      %get3A_55 = arith.constant 0 : index
      %get3A_56 = arith.constant 0 : index
      %get3A_57 = vector.load %arg10[%get3A_55, %get3A_56] : memref<1x32xf32, #tpu.memory_space<vmem>>, vector<1x32xf32>
      %swap3A_58 = arith.constant 0 : index
      %swap3A_59 = arith.constant 0 : index
      %swap3A_60 = vector.load %arg8[%swap3A_58, %swap3A_59] : memref<1x32xf32, #tpu.memory_space<vmem>>, vector<1x32xf32>
      tpu.vector_store %arg8[%swap3A_58, %swap3A_59], %get3A_57 {strides = array<i32>} : memref<1x32xf32, #tpu.memory_space<vmem>>, vector<1x32xf32>,
      %get3A_61 = arith.constant 0 : index
      %get3A_62 = arith.constant 0 : index
      %get3A_63 = vector.load %arg11[%get3A_61, %get3A_62] : memref<32x32xf32, #tpu.memory_space<vmem>>, vector<32x32xf32>
      %swap3A_64 = arith.constant 0 : index
      %swap3A_65 = arith.constant 0 : index
      %swap3A_66 = vector.load %arg9[%swap3A_64, %swap3A_65] : memref<32x32xf32, #tpu.memory_space<vmem>>, vector<32x32xf32>
      tpu.vector_store %arg9[%swap3A_64, %swap3A_65], %get3A_63 {strides = array<i32>} : memref<32x32xf32, #tpu.memory_space<vmem>>, vector<32x32xf32>,
    } else {
    }
    return
  }
  func.func @transform_0(%arg0: i32) -> (i32, i32) {
    %c0_i32 = arith.constant 0 : i32
    %c0_i32_0 = arith.constant 0 : i32
    return %arg0, %c0_i32 : i32, i32
  }
  func.func @transform_1(%arg0: i32) -> (i32, i32) {
    %c0_i32 = arith.constant 0 : i32
    %c0_i32_0 = arith.constant 0 : i32
    return %arg0, %c0_i32 : i32, i32
  }
  func.func @transform_2(%arg0: i32) -> (i32, i32) {
    %c0_i32 = arith.constant 0 : i32
    %c0_i32_0 = arith.constant 0 : i32
    %c0_i32_1 = arith.constant 0 : i32
    return %c0_i32, %c0_i32_0 : i32, i32
  }
  func.func @transform_3(%arg0: i32) -> (i32, i32) {
    %c0_i32 = arith.constant 0 : i32
    %c0_i32_0 = arith.constant 0 : i32
    %c0_i32_1 = arith.constant 0 : i32
    return %c0_i32, %c0_i32_0 : i32, i32
  }
  func.func @transform_4(%arg0: i32) -> (i32, i32) {
    %c0_i32 = arith.constant 0 : i32
    %c0_i32_0 = arith.constant 0 : i32
    %c0_i32_1 = arith.constant 0 : i32
    return %c0_i32, %c0_i32_0 : i32, i32
  }
  func.func @transform_5(%arg0: i32) -> (i32, i32) {
    %c0_i32 = arith.constant 0 : i32
    %c0_i32_0 = arith.constant 0 : i32
    %c0_i32_1 = arith.constant 0 : i32
    return %c0_i32, %c0_i32_0 : i32, i32
  }
  func.func @transform_6(%arg0: i32) -> (i32, i32) {
    %c0_i32 = arith.constant 0 : i32
    %c0_i32_0 = arith.constant 0 : i32
    return %arg0, %c0_i32 : i32, i32
  }
  func.func @transform_7(%arg0: i32) -> (i32, i32) {
    %c0_i32 = arith.constant 0 : i32
    %c0_i32_0 = arith.constant 0 : i32
    %c0_i32_1 = arith.constant 0 : i32
    return %c0_i32, %c0_i32_0 : i32, i32
  }
  func.func @transform_8(%arg0: i32) -> (i32, i32) {
    %c0_i32 = arith.constant 0 : i32
    %c0_i32_0 = arith.constant 0 : i32
    %c0_i32_1 = arith.constant 0 : i32
    return %c0_i32, %c0_i32_0 : i32, i32
  }
}

module attributes {stable_mosaic.version = 14 : i64} {
  func.func @kfn(%arg0: i32, %arg1: memref<2000x32xf32, #tpu.memory_space<vmem>>, %arg2: memref<1x32xf32, #tpu.memory_space<vmem>>, %arg3: memref<32x32xf32, #tpu.memory_space<vmem>>, %arg4: memref<1x32xf32, #tpu.memory_space<vmem>>, %arg5: memref<32x32xf32, #tpu.memory_space<vmem>>) attributes {dimension_semantics = [#tpu.dimension_semantics<arbitrary>], iteration_bounds = array<i64: 50>, scalar_prefetch = 0 : i64, scratch_operands = 2 : i64, tpu.core_type = #tpu.core_type<tc>, window_params = [{transform_indices = @transform_0, window_bounds = array<i64: 2000, 32>}, {pipeline_mode = #tpu.pipeline_mode<synchronous>, transform_indices = @transform_1, window_bounds = array<i64: 1, 32>}, {pipeline_mode = #tpu.pipeline_mode<synchronous>, transform_indices = @transform_2, window_bounds = array<i64: 32, 32>}]} {
    %eq3A = arith.constant 0 : i32
    %eq3A_0 = arith.cmpi eq, %arg0, %eq3A : i32
    %convert_element_type3A = arith.extui %eq3A_0 : i1 to i32
    %cond3A = arith.constant 0 : i32
    %cond3A_1 = arith.cmpi ne, %convert_element_type3A, %cond3A : i32
    scf.if %cond3A_1 {
      %broadcast_in_dim3A_23 = arith.constant 0.000000e+00 : f32
      %broadcast_in_dim3A_24 = vector.broadcast %broadcast_in_dim3A_23 : f32 to vector<1x32xf32>
      %swap3A_25 = arith.constant 0 : index
      %swap3A_26 = arith.constant 0 : index
      %swap3A_27 = vector.load %arg4[%swap3A_25, %swap3A_26] : memref<1x32xf32, #tpu.memory_space<vmem>>, vector<1x32xf32>
      tpu.vector_store %arg4[%swap3A_25, %swap3A_26], %broadcast_in_dim3A_24 {strides = array<i32>} : memref<1x32xf32, #tpu.memory_space<vmem>>, vector<1x32xf32>,
      %broadcast_in_dim3A_28 = arith.constant 0.000000e+00 : f32
      %broadcast_in_dim3A_29 = vector.broadcast %broadcast_in_dim3A_28 : f32 to vector<32x32xf32>
      %swap3A_30 = arith.constant 0 : index
      %swap3A_31 = arith.constant 0 : index
      %swap3A_32 = vector.load %arg5[%swap3A_30, %swap3A_31] : memref<32x32xf32, #tpu.memory_space<vmem>>, vector<32x32xf32>
      tpu.vector_store %arg5[%swap3A_30, %swap3A_31], %broadcast_in_dim3A_29 {strides = array<i32>} : memref<32x32xf32, #tpu.memory_space<vmem>>, vector<32x32xf32>,
    } else {
    }
    %get3A = arith.constant 0 : index
    %get3A_2 = arith.constant 0 : index
    %get3A_3 = vector.load %arg1[%get3A, %get3A_2] : memref<2000x32xf32, #tpu.memory_space<vmem>>, vector<2000x32xf32>
    %get3A_4 = arith.constant 0 : index
    %get3A_5 = arith.constant 0 : index
    %get3A_6 = vector.load %arg4[%get3A_4, %get3A_5] : memref<1x32xf32, #tpu.memory_space<vmem>>, vector<1x32xf32>
    %reduce_sum3A = arith.constant dense<0.000000e+00> : vector<32xf32>
    %reduce_sum3A_7 = vector.multi_reduction <add>, %get3A_3, %reduce_sum3A [0] : vector<2000x32xf32> to vector<32xf32>
    %broadcast_in_dim3A = vector.shape_cast %reduce_sum3A_7 : vector<32xf32> to vector<1x32xf32>
    %add3A = arith.addf %get3A_6, %broadcast_in_dim3A : vector<1x32xf32>
    %swap3A = arith.constant 0 : index
    %swap3A_8 = arith.constant 0 : index
    %swap3A_9 = vector.load %arg4[%swap3A, %swap3A_8] : memref<1x32xf32, #tpu.memory_space<vmem>>, vector<1x32xf32>
    tpu.vector_store %arg4[%swap3A, %swap3A_8], %add3A {strides = array<i32>} : memref<1x32xf32, #tpu.memory_space<vmem>>, vector<1x32xf32>,
    %get3A_10 = arith.constant 0 : index
    %get3A_11 = arith.constant 0 : index
    %get3A_12 = vector.load %arg5[%get3A_10, %get3A_11] : memref<32x32xf32, #tpu.memory_space<vmem>>, vector<32x32xf32>
    %dot_general3A = arith.constant dense<0.000000e+00> : vector<32x32xf32>
    %dot_general3A_13 = tpu.matmul %get3A_3, %get3A_3, %dot_general3A {dimension_numbers = #tpu.dot_dimension_numbers<[0], [0], [1], [1], [0, 1, 1, 1], [], []>, precision = #tpu.contract_precision<fp32>, transpose_lhs_hint = false} : vector<2000x32xf32>, vector<2000x32xf32>, vector<32x32xf32> -> vector<32x32xf32>
    %add3A_14 = arith.addf %get3A_12, %dot_general3A_13 : vector<32x32xf32>
    %swap3A_15 = arith.constant 0 : index
    %swap3A_16 = arith.constant 0 : index
    %swap3A_17 = vector.load %arg5[%swap3A_15, %swap3A_16] : memref<32x32xf32, #tpu.memory_space<vmem>>, vector<32x32xf32>
    tpu.vector_store %arg5[%swap3A_15, %swap3A_16], %add3A_14 {strides = array<i32>} : memref<32x32xf32, #tpu.memory_space<vmem>>, vector<32x32xf32>,
    %eq3A_18 = arith.constant 49 : i32
    %eq3A_19 = arith.cmpi eq, %arg0, %eq3A_18 : i32
    %convert_element_type3A_20 = arith.extui %eq3A_19 : i1 to i32
    %cond3A_21 = arith.constant 0 : i32
    %cond3A_22 = arith.cmpi ne, %convert_element_type3A_20, %cond3A_21 : i32
    scf.if %cond3A_22 {
      %get3A_23 = arith.constant 0 : index
      %get3A_24 = arith.constant 0 : index
      %get3A_25 = vector.load %arg4[%get3A_23, %get3A_24] : memref<1x32xf32, #tpu.memory_space<vmem>>, vector<1x32xf32>
      %swap3A_26 = arith.constant 0 : index
      %swap3A_27 = arith.constant 0 : index
      %swap3A_28 = vector.load %arg2[%swap3A_26, %swap3A_27] : memref<1x32xf32, #tpu.memory_space<vmem>>, vector<1x32xf32>
      tpu.vector_store %arg2[%swap3A_26, %swap3A_27], %get3A_25 {strides = array<i32>} : memref<1x32xf32, #tpu.memory_space<vmem>>, vector<1x32xf32>,
      %get3A_29 = arith.constant 0 : index
      %get3A_30 = arith.constant 0 : index
      %get3A_31 = vector.load %arg5[%get3A_29, %get3A_30] : memref<32x32xf32, #tpu.memory_space<vmem>>, vector<32x32xf32>
      %swap3A_32 = arith.constant 0 : index
      %swap3A_33 = arith.constant 0 : index
      %swap3A_34 = vector.load %arg3[%swap3A_32, %swap3A_33] : memref<32x32xf32, #tpu.memory_space<vmem>>, vector<32x32xf32>
      tpu.vector_store %arg3[%swap3A_32, %swap3A_33], %get3A_31 {strides = array<i32>} : memref<32x32xf32, #tpu.memory_space<vmem>>, vector<32x32xf32>,
    } else {
    }
    return
  }
  func.func @transform_0(%arg0: i32) -> (i32, i32) {
    %c0_i32 = arith.constant 0 : i32
    %c0_i32_0 = arith.constant 0 : i32
    return %arg0, %c0_i32 : i32, i32
  }
  func.func @transform_1(%arg0: i32) -> (i32, i32) {
    %c0_i32 = arith.constant 0 : i32
    %c0_i32_0 = arith.constant 0 : i32
    %c0_i32_1 = arith.constant 0 : i32
    return %c0_i32, %c0_i32_0 : i32, i32
  }
  func.func @transform_2(%arg0: i32) -> (i32, i32) {
    %c0_i32 = arith.constant 0 : i32
    %c0_i32_0 = arith.constant 0 : i32
    %c0_i32_1 = arith.constant 0 : i32
    return %c0_i32, %c0_i32_0 : i32, i32
  }
}

module attributes {stable_mosaic.version = 14 : i64} {
  func.func @kfn(%arg0: i32, %arg1: memref<2000x32xf32, #tpu.memory_space<vmem>>, %arg2: memref<1x32xf32, #tpu.memory_space<vmem>>, %arg3: memref<32x32xf32, #tpu.memory_space<vmem>>, %arg4: memref<32x32xf32, #tpu.memory_space<vmem>>) attributes {dimension_semantics = [#tpu.dimension_semantics<arbitrary>], iteration_bounds = array<i64: 50>, scalar_prefetch = 0 : i64, scratch_operands = 1 : i64, tpu.core_type = #tpu.core_type<tc>, window_params = [{transform_indices = @transform_0, window_bounds = array<i64: 2000, 32>}, {pipeline_mode = #tpu.pipeline_mode<synchronous>, transform_indices = @transform_1, window_bounds = array<i64: 1, 32>}, {pipeline_mode = #tpu.pipeline_mode<synchronous>, transform_indices = @transform_2, window_bounds = array<i64: 32, 32>}]} {
    %eq3A = arith.constant 0 : i32
    %eq3A_0 = arith.cmpi eq, %arg0, %eq3A : i32
    %convert_element_type3A = arith.extui %eq3A_0 : i1 to i32
    %cond3A = arith.constant 0 : i32
    %cond3A_1 = arith.cmpi ne, %convert_element_type3A, %cond3A : i32
    scf.if %cond3A_1 {
      %broadcast_in_dim3A = arith.constant 0.000000e+00 : f32
      %broadcast_in_dim3A_19 = vector.broadcast %broadcast_in_dim3A : f32 to vector<32x32xf32>
      %swap3A_20 = arith.constant 0 : index
      %swap3A_21 = arith.constant 0 : index
      %swap3A_22 = vector.load %arg4[%swap3A_20, %swap3A_21] : memref<32x32xf32, #tpu.memory_space<vmem>>, vector<32x32xf32>
      tpu.vector_store %arg4[%swap3A_20, %swap3A_21], %broadcast_in_dim3A_19 {strides = array<i32>} : memref<32x32xf32, #tpu.memory_space<vmem>>, vector<32x32xf32>,
    } else {
    }
    %get3A = arith.constant 0 : index
    %get3A_2 = arith.constant 0 : index
    %get3A_3 = vector.load %arg1[%get3A, %get3A_2] : memref<2000x32xf32, #tpu.memory_space<vmem>>, vector<2000x32xf32>
    %get3A_4 = arith.constant 0 : index
    %get3A_5 = arith.constant 0 : index
    %get3A_6 = vector.load %arg2[%get3A_4, %get3A_5] : memref<1x32xf32, #tpu.memory_space<vmem>>, vector<1x32xf32>
    %sub3A = vector.broadcast %get3A_6 : vector<1x32xf32> to vector<2000x32xf32>
    %sub3A_7 = arith.subf %get3A_3, %sub3A : vector<2000x32xf32>
    %get3A_8 = arith.constant 0 : index
    %get3A_9 = arith.constant 0 : index
    %get3A_10 = vector.load %arg4[%get3A_8, %get3A_9] : memref<32x32xf32, #tpu.memory_space<vmem>>, vector<32x32xf32>
    %dot_general3A = arith.constant dense<0.000000e+00> : vector<32x32xf32>
    %dot_general3A_11 = tpu.matmul %sub3A_7, %sub3A_7, %dot_general3A {dimension_numbers = #tpu.dot_dimension_numbers<[0], [0], [1], [1], [0, 1, 1, 1], [], []>, precision = #tpu.contract_precision<fp32>, transpose_lhs_hint = false} : vector<2000x32xf32>, vector<2000x32xf32>, vector<32x32xf32> -> vector<32x32xf32>
    %add3A = arith.addf %get3A_10, %dot_general3A_11 : vector<32x32xf32>
    %swap3A = arith.constant 0 : index
    %swap3A_12 = arith.constant 0 : index
    %swap3A_13 = vector.load %arg4[%swap3A, %swap3A_12] : memref<32x32xf32, #tpu.memory_space<vmem>>, vector<32x32xf32>
    tpu.vector_store %arg4[%swap3A, %swap3A_12], %add3A {strides = array<i32>} : memref<32x32xf32, #tpu.memory_space<vmem>>, vector<32x32xf32>,
    %eq3A_14 = arith.constant 49 : i32
    %eq3A_15 = arith.cmpi eq, %arg0, %eq3A_14 : i32
    %convert_element_type3A_16 = arith.extui %eq3A_15 : i1 to i32
    %cond3A_17 = arith.constant 0 : i32
    %cond3A_18 = arith.cmpi ne, %convert_element_type3A_16, %cond3A_17 : i32
    scf.if %cond3A_18 {
      %get3A_19 = arith.constant 0 : index
      %get3A_20 = arith.constant 0 : index
      %get3A_21 = vector.load %arg4[%get3A_19, %get3A_20] : memref<32x32xf32, #tpu.memory_space<vmem>>, vector<32x32xf32>
      %swap3A_22 = arith.constant 0 : index
      %swap3A_23 = arith.constant 0 : index
      %swap3A_24 = vector.load %arg3[%swap3A_22, %swap3A_23] : memref<32x32xf32, #tpu.memory_space<vmem>>, vector<32x32xf32>
      tpu.vector_store %arg3[%swap3A_22, %swap3A_23], %get3A_21 {strides = array<i32>} : memref<32x32xf32, #tpu.memory_space<vmem>>, vector<32x32xf32>,
    } else {
    }
    return
  }
  func.func @transform_0(%arg0: i32) -> (i32, i32) {
    %c0_i32 = arith.constant 0 : i32
    %c0_i32_0 = arith.constant 0 : i32
    return %arg0, %c0_i32 : i32, i32
  }
  func.func @transform_1(%arg0: i32) -> (i32, i32) {
    %c0_i32 = arith.constant 0 : i32
    %c0_i32_0 = arith.constant 0 : i32
    %c0_i32_1 = arith.constant 0 : i32
    return %c0_i32, %c0_i32_0 : i32, i32
  }
  func.func @transform_2(%arg0: i32) -> (i32, i32) {
    %c0_i32 = arith.constant 0 : i32
    %c0_i32_0 = arith.constant 0 : i32
    %c0_i32_1 = arith.constant 0 : i32
    return %c0_i32, %c0_i32_0 : i32, i32
  }
}

module attributes {stable_mosaic.version = 14 : i64} {
  func.func @kfn(%arg0: i32, %arg1: memref<2000x32xf32, #tpu.memory_space<vmem>>, %arg2: memref<2000x3xf32, #tpu.memory_space<vmem>>, %arg3: memref<32x16xf32, #tpu.memory_space<vmem>>, %arg4: memref<1x16xf32, #tpu.memory_space<vmem>>, %arg5: memref<2000x128xf32, #tpu.memory_space<vmem>>) attributes {dimension_semantics = [#tpu.dimension_semantics<arbitrary>], iteration_bounds = array<i64: 50>, scalar_prefetch = 0 : i64, scratch_operands = 0 : i64, tpu.core_type = #tpu.core_type<tc>, window_params = [{transform_indices = @transform_0, window_bounds = array<i64: 2000, 32>}, {transform_indices = @transform_1, window_bounds = array<i64: 2000, 3>}, {pipeline_mode = #tpu.pipeline_mode<synchronous>, transform_indices = @transform_2, window_bounds = array<i64: 32, 16>}, {pipeline_mode = #tpu.pipeline_mode<synchronous>, transform_indices = @transform_3, window_bounds = array<i64: 1, 16>}, {transform_indices = @transform_4, window_bounds = array<i64: 2000, 128>}]} {
    %get3A = arith.constant 0 : index
    %get3A_0 = arith.constant 0 : index
    %get3A_1 = vector.load %arg1[%get3A, %get3A_0] : memref<2000x32xf32, #tpu.memory_space<vmem>>, vector<2000x32xf32>
    %get3A_2 = arith.constant 0 : index
    %get3A_3 = arith.constant 0 : index
    %get3A_4 = vector.load %arg3[%get3A_2, %get3A_3] : memref<32x16xf32, #tpu.memory_space<vmem>>, vector<32x16xf32>
    %dot_general3A = arith.constant dense<0.000000e+00> : vector<2000x16xf32>
    %dot_general3A_5 = tpu.matmul %get3A_1, %get3A_4, %dot_general3A {dimension_numbers = #tpu.dot_dimension_numbers<[1], [0], [0], [1], [0, 0, 1, 1], [], []>, precision = #tpu.contract_precision<fp32>, transpose_lhs_hint = false} : vector<2000x32xf32>, vector<32x16xf32>, vector<2000x16xf32> -> vector<2000x16xf32>
    %get3A_6 = arith.constant 0 : index
    %get3A_7 = arith.constant 0 : index
    %get3A_8 = vector.load %arg4[%get3A_6, %get3A_7] : memref<1x16xf32, #tpu.memory_space<vmem>>, vector<1x16xf32>
    %add3A = vector.broadcast %get3A_8 : vector<1x16xf32> to vector<2000x16xf32>
    %add3A_9 = arith.addf %dot_general3A_5, %add3A : vector<2000x16xf32>
    %max3A = arith.constant 0.000000e+00 : f32
    %max3A_10 = vector.broadcast %max3A : f32 to vector<2000x16xf32>
    %max3A_11 = arith.maximumf %add3A_9, %max3A_10 : vector<2000x16xf32>
    %get3A_12 = arith.constant 0 : index
    %get3A_13 = arith.constant 0 : index
    %get3A_14 = vector.load %arg2[%get3A_12, %get3A_13] : memref<2000x3xf32, #tpu.memory_space<vmem>>, vector<2000x3xf32>
    %broadcast_in_dim3A = arith.constant 0.000000e+00 : f32
    %broadcast_in_dim3A_15 = vector.broadcast %broadcast_in_dim3A : f32 to vector<2000x109xf32>
    %concatenate3A = tpu.concatenate %get3A_14, %max3A_11, %broadcast_in_dim3A_15 in 1 : vector<2000x3xf32>, vector<2000x16xf32>, vector<2000x109xf32> -> vector<2000x128xf32>
    %swap3A = arith.constant 0 : index
    %swap3A_16 = arith.constant 0 : index
    %swap3A_17 = vector.load %arg5[%swap3A, %swap3A_16] : memref<2000x128xf32, #tpu.memory_space<vmem>>, vector<2000x128xf32>
    tpu.vector_store %arg5[%swap3A, %swap3A_16], %concatenate3A {strides = array<i32>} : memref<2000x128xf32, #tpu.memory_space<vmem>>, vector<2000x128xf32>,
    return
  }
  func.func @transform_0(%arg0: i32) -> (i32, i32) {
    %c0_i32 = arith.constant 0 : i32
    %c0_i32_0 = arith.constant 0 : i32
    return %arg0, %c0_i32 : i32, i32
  }
  func.func @transform_1(%arg0: i32) -> (i32, i32) {
    %c0_i32 = arith.constant 0 : i32
    %c0_i32_0 = arith.constant 0 : i32
    return %arg0, %c0_i32 : i32, i32
  }
  func.func @transform_2(%arg0: i32) -> (i32, i32) {
    %c0_i32 = arith.constant 0 : i32
    %c0_i32_0 = arith.constant 0 : i32
    %c0_i32_1 = arith.constant 0 : i32
    return %c0_i32, %c0_i32_0 : i32, i32
  }
  func.func @transform_3(%arg0: i32) -> (i32, i32) {
    %c0_i32 = arith.constant 0 : i32
    %c0_i32_0 = arith.constant 0 : i32
    %c0_i32_1 = arith.constant 0 : i32
    return %c0_i32, %c0_i32_0 : i32, i32
  }
  func.func @transform_4(%arg0: i32) -> (i32, i32) {
    %c0_i32 = arith.constant 0 : i32
    %c0_i32_0 = arith.constant 0 : i32
    return %arg0, %c0_i32 : i32, i32
  }
}

module attributes {stable_mosaic.version = 14 : i64} {
  func.func @kfn(%arg0: i32, %arg1: i32, %arg2: memref<1x2000x128xf32, #tpu.memory_space<vmem>>, %arg3: memref<2000x3xf32, #tpu.memory_space<vmem>>, %arg4: memref<10x16xf32, #tpu.memory_space<vmem>>, %arg5: memref<1x16xf32, #tpu.memory_space<vmem>>, %arg6: memref<1x32xf32, #tpu.memory_space<vmem>>, %arg7: memref<32x32xf32, #tpu.memory_space<vmem>>, %arg8: memref<1x32xf32, #tpu.memory_space<vmem>>, %arg9: memref<32x32xf32, #tpu.memory_space<vmem>>) attributes {dimension_semantics = [#tpu.dimension_semantics<arbitrary>, #tpu.dimension_semantics<arbitrary>], iteration_bounds = array<i64: 50, 16>, scalar_prefetch = 0 : i64, scratch_operands = 2 : i64, tpu.core_type = #tpu.core_type<tc>, window_params = [{transform_indices = @transform_0, window_bounds = array<i64: 1, 2000, 128>}, {transform_indices = @transform_1, window_bounds = array<i64: 2000, 3>}, {pipeline_mode = #tpu.pipeline_mode<synchronous>, transform_indices = @transform_2, window_bounds = array<i64: 10, 16>}, {pipeline_mode = #tpu.pipeline_mode<synchronous>, transform_indices = @transform_3, window_bounds = array<i64: 1, 16>}, {pipeline_mode = #tpu.pipeline_mode<synchronous>, transform_indices = @transform_4, window_bounds = array<i64: 1, 32>}, {pipeline_mode = #tpu.pipeline_mode<synchronous>, transform_indices = @transform_5, window_bounds = array<i64: 32, 32>}]} {
    %eq3A = arith.constant 0 : i32
    %eq3A_0 = arith.cmpi eq, %arg0, %eq3A : i32
    %eq3A_1 = arith.constant 0 : i32
    %eq3A_2 = arith.cmpi eq, %arg1, %eq3A_1 : i32
    %and3A = arith.andi %eq3A_0, %eq3A_2 : i1
    %convert_element_type3A = arith.extui %and3A : i1 to i32
    %cond3A = arith.constant 0 : i32
    %cond3A_3 = arith.cmpi ne, %convert_element_type3A, %cond3A : i32
    scf.if %cond3A_3 {
      %broadcast_in_dim3A_50 = arith.constant 0.000000e+00 : f32
      %broadcast_in_dim3A_51 = vector.broadcast %broadcast_in_dim3A_50 : f32 to vector<1x32xf32>
      %swap3A_52 = arith.constant 0 : index
      %swap3A_53 = arith.constant 0 : index
      %swap3A_54 = vector.load %arg8[%swap3A_52, %swap3A_53] : memref<1x32xf32, #tpu.memory_space<vmem>>, vector<1x32xf32>
      tpu.vector_store %arg8[%swap3A_52, %swap3A_53], %broadcast_in_dim3A_51 {strides = array<i32>} : memref<1x32xf32, #tpu.memory_space<vmem>>, vector<1x32xf32>,
      %broadcast_in_dim3A_55 = arith.constant 0.000000e+00 : f32
      %broadcast_in_dim3A_56 = vector.broadcast %broadcast_in_dim3A_55 : f32 to vector<32x32xf32>
      %swap3A_57 = arith.constant 0 : index
      %swap3A_58 = arith.constant 0 : index
      %swap3A_59 = vector.load %arg9[%swap3A_57, %swap3A_58] : memref<32x32xf32, #tpu.memory_space<vmem>>, vector<32x32xf32>
      tpu.vector_store %arg9[%swap3A_57, %swap3A_58], %broadcast_in_dim3A_56 {strides = array<i32>} : memref<32x32xf32, #tpu.memory_space<vmem>>, vector<32x32xf32>,
    } else {
    }
    %get3A = arith.constant 0 : index
    %get3A_4 = arith.constant 0 : index
    %get3A_5 = arith.constant 0 : index
    %get3A_6 = vector.load %arg2[%get3A, %get3A_4, %get3A_5] : memref<1x2000x128xf32, #tpu.memory_space<vmem>>, vector<1x2000x128xf32>
    %get3A_7 = vector.shape_cast %get3A_6 : vector<1x2000x128xf32> to vector<2000x128xf32>
    %get3A_8 = arith.constant 0 : index
    %get3A_9 = arith.constant 0 : index
    %get3A_10 = vector.load %arg3[%get3A_8, %get3A_9] : memref<2000x3xf32, #tpu.memory_space<vmem>>, vector<2000x3xf32>
    %slice3A = vector.extract_strided_slice %get3A_7 {offsets = [0, 0], sizes = [2000, 3], strides = [1, 1]} : vector<2000x128xf32> to vector<2000x3xf32>
    %sub3A = arith.subf %get3A_10, %slice3A : vector<2000x3xf32>
    %mul3A = arith.mulf %sub3A, %sub3A : vector<2000x3xf32>
    %reduce_sum3A = arith.constant dense<0.000000e+00> : vector<2000xf32>
    %reduce_sum3A_11 = vector.multi_reduction <add>, %mul3A, %reduce_sum3A [1] : vector<2000x3xf32> to vector<2000xf32>
    %broadcast_in_dim3A = vector.shape_cast %reduce_sum3A_11 : vector<2000xf32> to vector<2000x1xf32>
    %sqrt3A = math.sqrt %broadcast_in_dim3A : vector<2000x1xf32>
    %concatenate3A = tpu.concatenate %sqrt3A, %sub3A, %get3A_10, %slice3A in 1 : vector<2000x1xf32>, vector<2000x3xf32>, vector<2000x3xf32>, vector<2000x3xf32> -> vector<2000x10xf32>
    %get3A_12 = arith.constant 0 : index
    %get3A_13 = arith.constant 0 : index
    %get3A_14 = vector.load %arg4[%get3A_12, %get3A_13] : memref<10x16xf32, #tpu.memory_space<vmem>>, vector<10x16xf32>
    %dot_general3A = arith.constant dense<0.000000e+00> : vector<2000x16xf32>
    %dot_general3A_15 = tpu.matmul %concatenate3A, %get3A_14, %dot_general3A {dimension_numbers = #tpu.dot_dimension_numbers<[1], [0], [0], [1], [0, 0, 1, 1], [], []>, precision = #tpu.contract_precision<fp32>, transpose_lhs_hint = false} : vector<2000x10xf32>, vector<10x16xf32>, vector<2000x16xf32> -> vector<2000x16xf32>
    %get3A_16 = arith.constant 0 : index
    %get3A_17 = arith.constant 0 : index
    %get3A_18 = vector.load %arg5[%get3A_16, %get3A_17] : memref<1x16xf32, #tpu.memory_space<vmem>>, vector<1x16xf32>
    %add3A = vector.broadcast %get3A_18 : vector<1x16xf32> to vector<2000x16xf32>
    %add3A_19 = arith.addf %dot_general3A_15, %add3A : vector<2000x16xf32>
    %max3A = arith.constant 0.000000e+00 : f32
    %max3A_20 = vector.broadcast %max3A : f32 to vector<2000x16xf32>
    %max3A_21 = arith.maximumf %add3A_19, %max3A_20 : vector<2000x16xf32>
    %slice3A_22 = vector.extract_strided_slice %get3A_7 {offsets = [0, 3], sizes = [2000, 16], strides = [1, 1]} : vector<2000x128xf32> to vector<2000x16xf32>
    %concatenate3A_23 = tpu.concatenate %slice3A_22, %max3A_21 in 1 : vector<2000x16xf32>, vector<2000x16xf32> -> vector<2000x32xf32>
    %get3A_24 = arith.constant 0 : index
    %get3A_25 = arith.constant 0 : index
    %get3A_26 = vector.load %arg8[%get3A_24, %get3A_25] : memref<1x32xf32, #tpu.memory_space<vmem>>, vector<1x32xf32>
    %reduce_sum3A_27 = arith.constant dense<0.000000e+00> : vector<32xf32>
    %reduce_sum3A_28 = vector.multi_reduction <add>, %concatenate3A_23, %reduce_sum3A_27 [0] : vector<2000x32xf32> to vector<32xf32>
    %broadcast_in_dim3A_29 = vector.shape_cast %reduce_sum3A_28 : vector<32xf32> to vector<1x32xf32>
    %add3A_30 = arith.addf %get3A_26, %broadcast_in_dim3A_29 : vector<1x32xf32>
    %swap3A = arith.constant 0 : index
    %swap3A_31 = arith.constant 0 : index
    %swap3A_32 = vector.load %arg8[%swap3A, %swap3A_31] : memref<1x32xf32, #tpu.memory_space<vmem>>, vector<1x32xf32>
    tpu.vector_store %arg8[%swap3A, %swap3A_31], %add3A_30 {strides = array<i32>} : memref<1x32xf32, #tpu.memory_space<vmem>>, vector<1x32xf32>,
    %get3A_33 = arith.constant 0 : index
    %get3A_34 = arith.constant 0 : index
    %get3A_35 = vector.load %arg9[%get3A_33, %get3A_34] : memref<32x32xf32, #tpu.memory_space<vmem>>, vector<32x32xf32>
    %dot_general3A_36 = arith.constant dense<0.000000e+00> : vector<32x32xf32>
    %dot_general3A_37 = tpu.matmul %concatenate3A_23, %concatenate3A_23, %dot_general3A_36 {dimension_numbers = #tpu.dot_dimension_numbers<[0], [0], [1], [1], [0, 1, 1, 1], [], []>, precision = #tpu.contract_precision<fp32>, transpose_lhs_hint = false} : vector<2000x32xf32>, vector<2000x32xf32>, vector<32x32xf32> -> vector<32x32xf32>
    %add3A_38 = arith.addf %get3A_35, %dot_general3A_37 : vector<32x32xf32>
    %swap3A_39 = arith.constant 0 : index
    %swap3A_40 = arith.constant 0 : index
    %swap3A_41 = vector.load %arg9[%swap3A_39, %swap3A_40] : memref<32x32xf32, #tpu.memory_space<vmem>>, vector<32x32xf32>
    tpu.vector_store %arg9[%swap3A_39, %swap3A_40], %add3A_38 {strides = array<i32>} : memref<32x32xf32, #tpu.memory_space<vmem>>, vector<32x32xf32>,
    %eq3A_42 = arith.constant 49 : i32
    %eq3A_43 = arith.cmpi eq, %arg0, %eq3A_42 : i32
    %eq3A_44 = arith.constant 15 : i32
    %eq3A_45 = arith.cmpi eq, %arg1, %eq3A_44 : i32
    %and3A_46 = arith.andi %eq3A_43, %eq3A_45 : i1
    %convert_element_type3A_47 = arith.extui %and3A_46 : i1 to i32
    %cond3A_48 = arith.constant 0 : i32
    %cond3A_49 = arith.cmpi ne, %convert_element_type3A_47, %cond3A_48 : i32
    scf.if %cond3A_49 {
      %get3A_50 = arith.constant 0 : index
      %get3A_51 = arith.constant 0 : index
      %get3A_52 = vector.load %arg8[%get3A_50, %get3A_51] : memref<1x32xf32, #tpu.memory_space<vmem>>, vector<1x32xf32>
      %swap3A_53 = arith.constant 0 : index
      %swap3A_54 = arith.constant 0 : index
      %swap3A_55 = vector.load %arg6[%swap3A_53, %swap3A_54] : memref<1x32xf32, #tpu.memory_space<vmem>>, vector<1x32xf32>
      tpu.vector_store %arg6[%swap3A_53, %swap3A_54], %get3A_52 {strides = array<i32>} : memref<1x32xf32, #tpu.memory_space<vmem>>, vector<1x32xf32>,
      %get3A_56 = arith.constant 0 : index
      %get3A_57 = arith.constant 0 : index
      %get3A_58 = vector.load %arg9[%get3A_56, %get3A_57] : memref<32x32xf32, #tpu.memory_space<vmem>>, vector<32x32xf32>
      %swap3A_59 = arith.constant 0 : index
      %swap3A_60 = arith.constant 0 : index
      %swap3A_61 = vector.load %arg7[%swap3A_59, %swap3A_60] : memref<32x32xf32, #tpu.memory_space<vmem>>, vector<32x32xf32>
      tpu.vector_store %arg7[%swap3A_59, %swap3A_60], %get3A_58 {strides = array<i32>} : memref<32x32xf32, #tpu.memory_space<vmem>>, vector<32x32xf32>,
    } else {
    }
    return
  }
  func.func @transform_0(%arg0: i32, %arg1: i32) -> (i32, i32, i32) {
    %c0_i32 = arith.constant 0 : i32
    %c0_i32_0 = arith.constant 0 : i32
    return %arg1, %arg0, %c0_i32 : i32, i32, i32
  }
  func.func @transform_1(%arg0: i32, %arg1: i32) -> (i32, i32) {
    %c0_i32 = arith.constant 0 : i32
    %c0_i32_0 = arith.constant 0 : i32
    return %arg0, %c0_i32 : i32, i32
  }
  func.func @transform_2(%arg0: i32, %arg1: i32) -> (i32, i32) {
    %c0_i32 = arith.constant 0 : i32
    %c0_i32_0 = arith.constant 0 : i32
    %c0_i32_1 = arith.constant 0 : i32
    return %c0_i32, %c0_i32_0 : i32, i32
  }
  func.func @transform_3(%arg0: i32, %arg1: i32) -> (i32, i32) {
    %c0_i32 = arith.constant 0 : i32
    %c0_i32_0 = arith.constant 0 : i32
    %c0_i32_1 = arith.constant 0 : i32
    return %c0_i32, %c0_i32_0 : i32, i32
  }
  func.func @transform_4(%arg0: i32, %arg1: i32) -> (i32, i32) {
    %c0_i32 = arith.constant 0 : i32
    %c0_i32_0 = arith.constant 0 : i32
    %c0_i32_1 = arith.constant 0 : i32
    return %c0_i32, %c0_i32_0 : i32, i32
  }
  func.func @transform_5(%arg0: i32, %arg1: i32) -> (i32, i32) {
    %c0_i32 = arith.constant 0 : i32
    %c0_i32_0 = arith.constant 0 : i32
    %c0_i32_1 = arith.constant 0 : i32
    return %c0_i32, %c0_i32_0 : i32, i32
  }
}

module attributes {stable_mosaic.version = 14 : i64} {
  func.func @kfn(%arg0: i32, %arg1: i32, %arg2: memref<1x2000x128xf32, #tpu.memory_space<vmem>>, %arg3: memref<2000x3xf32, #tpu.memory_space<vmem>>, %arg4: memref<10x16xf32, #tpu.memory_space<vmem>>, %arg5: memref<1x16xf32, #tpu.memory_space<vmem>>, %arg6: memref<32x16xf32, #tpu.memory_space<vmem>>, %arg7: memref<1x16xf32, #tpu.memory_space<vmem>>, %arg8: memref<1x16xf32, #tpu.memory_space<smem>>, %arg9: memref<1x1xf32, #tpu.memory_space<smem>>, %arg10: memref<2000x16xf32, #tpu.memory_space<vmem>>, %arg11: memref<1x16xf32, #tpu.memory_space<vmem>>, %arg12: memref<16x16xf32, #tpu.memory_space<vmem>>, %arg13: memref<2000x16xf32, #tpu.memory_space<vmem>>, %arg14: memref<2000x16xf32, #tpu.memory_space<vmem>>, %arg15: memref<1x16xf32, #tpu.memory_space<vmem>>, %arg16: memref<16x16xf32, #tpu.memory_space<vmem>>) attributes {dimension_semantics = [#tpu.dimension_semantics<arbitrary>, #tpu.dimension_semantics<arbitrary>], iteration_bounds = array<i64: 50, 16>, scalar_prefetch = 0 : i64, scratch_operands = 4 : i64, tpu.core_type = #tpu.core_type<tc>, window_params = [{transform_indices = @transform_0, window_bounds = array<i64: 1, 2000, 128>}, {transform_indices = @transform_1, window_bounds = array<i64: 2000, 3>}, {pipeline_mode = #tpu.pipeline_mode<synchronous>, transform_indices = @transform_2, window_bounds = array<i64: 10, 16>}, {pipeline_mode = #tpu.pipeline_mode<synchronous>, transform_indices = @transform_3, window_bounds = array<i64: 1, 16>}, {pipeline_mode = #tpu.pipeline_mode<synchronous>, transform_indices = @transform_4, window_bounds = array<i64: 32, 16>}, {pipeline_mode = #tpu.pipeline_mode<synchronous>, transform_indices = @transform_5, window_bounds = array<i64: 1, 16>}, {transform_indices = @transform_6, window_bounds = array<i64: 1, 16>}, {transform_indices = @transform_7, window_bounds = array<i64: 1, 1>}, {transform_indices = @transform_8, window_bounds = array<i64: 2000, 16>}, {pipeline_mode = #tpu.pipeline_mode<synchronous>, transform_indices = @transform_9, window_bounds = array<i64: 1, 16>}, {pipeline_mode = #tpu.pipeline_mode<synchronous>, transform_indices = @transform_10, window_bounds = array<i64: 16, 16>}]} {
    %eq3A = arith.constant 0 : i32
    %eq3A_0 = arith.cmpi eq, %arg0, %eq3A : i32
    %eq3A_1 = arith.constant 0 : i32
    %eq3A_2 = arith.cmpi eq, %arg1, %eq3A_1 : i32
    %and3A = arith.andi %eq3A_0, %eq3A_2 : i1
    %convert_element_type3A = arith.extui %and3A : i1 to i32
    %cond3A = arith.constant 0 : i32
    %cond3A_3 = arith.cmpi ne, %convert_element_type3A, %cond3A : i32
    scf.if %cond3A_3 {
      %broadcast_in_dim3A_62 = arith.constant 0.000000e+00 : f32
      %broadcast_in_dim3A_63 = vector.broadcast %broadcast_in_dim3A_62 : f32 to vector<1x16xf32>
      %swap3A = arith.constant 0 : index
      %swap3A_64 = arith.constant 0 : index
      %swap3A_65 = vector.load %arg15[%swap3A, %swap3A_64] : memref<1x16xf32, #tpu.memory_space<vmem>>, vector<1x16xf32>
      tpu.vector_store %arg15[%swap3A, %swap3A_64], %broadcast_in_dim3A_63 {strides = array<i32>} : memref<1x16xf32, #tpu.memory_space<vmem>>, vector<1x16xf32>,
      %broadcast_in_dim3A_66 = arith.constant 0.000000e+00 : f32
      %broadcast_in_dim3A_67 = vector.broadcast %broadcast_in_dim3A_66 : f32 to vector<16x16xf32>
      %swap3A_68 = arith.constant 0 : index
      %swap3A_69 = arith.constant 0 : index
      %swap3A_70 = vector.load %arg16[%swap3A_68, %swap3A_69] : memref<16x16xf32, #tpu.memory_space<vmem>>, vector<16x16xf32>
      tpu.vector_store %arg16[%swap3A_68, %swap3A_69], %broadcast_in_dim3A_67 {strides = array<i32>} : memref<16x16xf32, #tpu.memory_space<vmem>>, vector<16x16xf32>,
    } else {
    }
    %get3A = arith.constant 0 : index
    %get3A_4 = arith.constant 0 : index
    %get3A_5 = arith.constant 0 : index
    %get3A_6 = vector.load %arg2[%get3A, %get3A_4, %get3A_5] : memref<1x2000x128xf32, #tpu.memory_space<vmem>>, vector<1x2000x128xf32>
    %get3A_7 = vector.shape_cast %get3A_6 : vector<1x2000x128xf32> to vector<2000x128xf32>
    %get3A_8 = arith.constant 0 : index
    %get3A_9 = arith.constant 0 : index
    %get3A_10 = vector.load %arg3[%get3A_8, %get3A_9] : memref<2000x3xf32, #tpu.memory_space<vmem>>, vector<2000x3xf32>
    %slice3A = vector.extract_strided_slice %get3A_7 {offsets = [0, 0], sizes = [2000, 3], strides = [1, 1]} : vector<2000x128xf32> to vector<2000x3xf32>
    %sub3A = arith.subf %get3A_10, %slice3A : vector<2000x3xf32>
    %mul3A = arith.mulf %sub3A, %sub3A : vector<2000x3xf32>
    %reduce_sum3A = arith.constant dense<0.000000e+00> : vector<2000xf32>
    %reduce_sum3A_11 = vector.multi_reduction <add>, %mul3A, %reduce_sum3A [1] : vector<2000x3xf32> to vector<2000xf32>
    %broadcast_in_dim3A = vector.shape_cast %reduce_sum3A_11 : vector<2000xf32> to vector<2000x1xf32>
    %sqrt3A = math.sqrt %broadcast_in_dim3A : vector<2000x1xf32>
    %concatenate3A = tpu.concatenate %sqrt3A, %sub3A, %get3A_10, %slice3A in 1 : vector<2000x1xf32>, vector<2000x3xf32>, vector<2000x3xf32>, vector<2000x3xf32> -> vector<2000x10xf32>
    %get3A_12 = arith.constant 0 : index
    %get3A_13 = arith.constant 0 : index
    %get3A_14 = vector.load %arg4[%get3A_12, %get3A_13] : memref<10x16xf32, #tpu.memory_space<vmem>>, vector<10x16xf32>
    %dot_general3A = arith.constant dense<0.000000e+00> : vector<2000x16xf32>
    %dot_general3A_15 = tpu.matmul %concatenate3A, %get3A_14, %dot_general3A {dimension_numbers = #tpu.dot_dimension_numbers<[1], [0], [0], [1], [0, 0, 1, 1], [], []>, precision = #tpu.contract_precision<fp32>, transpose_lhs_hint = false} : vector<2000x10xf32>, vector<10x16xf32>, vector<2000x16xf32> -> vector<2000x16xf32>
    %get3A_16 = arith.constant 0 : index
    %get3A_17 = arith.constant 0 : index
    %get3A_18 = vector.load %arg5[%get3A_16, %get3A_17] : memref<1x16xf32, #tpu.memory_space<vmem>>, vector<1x16xf32>
    %add3A = vector.broadcast %get3A_18 : vector<1x16xf32> to vector<2000x16xf32>
    %add3A_19 = arith.addf %dot_general3A_15, %add3A : vector<2000x16xf32>
    %max3A = arith.constant 0.000000e+00 : f32
    %max3A_20 = vector.broadcast %max3A : f32 to vector<2000x16xf32>
    %max3A_21 = arith.maximumf %add3A_19, %max3A_20 : vector<2000x16xf32>
    %slice3A_22 = vector.extract_strided_slice %get3A_7 {offsets = [0, 3], sizes = [2000, 16], strides = [1, 1]} : vector<2000x128xf32> to vector<2000x16xf32>
    %concatenate3A_23 = tpu.concatenate %slice3A_22, %max3A_21 in 1 : vector<2000x16xf32>, vector<2000x16xf32> -> vector<2000x32xf32>
    %get3A_24 = arith.constant 0 : index
    %get3A_25 = arith.constant 0 : index
    %get3A_26 = vector.load %arg6[%get3A_24, %get3A_25] : memref<32x16xf32, #tpu.memory_space<vmem>>, vector<32x16xf32>
    %dot_general3A_27 = arith.constant dense<0.000000e+00> : vector<2000x16xf32>
    %dot_general3A_28 = tpu.matmul %concatenate3A_23, %get3A_26, %dot_general3A_27 {dimension_numbers = #tpu.dot_dimension_numbers<[1], [0], [0], [1], [0, 0, 1, 1], [], []>, precision = #tpu.contract_precision<fp32>, transpose_lhs_hint = false} : vector<2000x32xf32>, vector<32x16xf32>, vector<2000x16xf32> -> vector<2000x16xf32>
    %get3A_29 = arith.constant 0 : index
    %get3A_30 = arith.constant 0 : index
    %get3A_31 = vector.load %arg7[%get3A_29, %get3A_30] : memref<1x16xf32, #tpu.memory_space<vmem>>, vector<1x16xf32>
    %add3A_32 = vector.broadcast %get3A_31 : vector<1x16xf32> to vector<2000x16xf32>
    %add3A_33 = arith.addf %dot_general3A_28, %add3A_32 : vector<2000x16xf32>
    %max3A_34 = arith.constant 0.000000e+00 : f32
    %max3A_35 = vector.broadcast %max3A_34 : f32 to vector<2000x16xf32>
    %max3A_36 = arith.maximumf %add3A_33, %max3A_35 : vector<2000x16xf32>
    %get3A_37 = arith.constant 0 : index
    %get3A_38 = arith.index_cast %arg1 : i32 to index
    %get3A_39 = memref.load %arg8[%get3A_37, %get3A_38] : memref<1x16xf32, #tpu.memory_space<smem>>
    %eq3A_40 = arith.constant 0 : i32
    %eq3A_41 = arith.cmpi eq, %arg1, %eq3A_40 : i32
    %convert_element_type3A_42 = arith.extui %eq3A_41 : i1 to i32
    %cond3A_43 = arith.constant 0 : i32
    %cond3A_44 = arith.cmpi ne, %convert_element_type3A_42, %cond3A_43 : i32
    scf.if %cond3A_44 {
      %swap3A = arith.constant 0 : index
      %swap3A_62 = arith.constant 0 : index
      %swap3A_63 = vector.load %arg13[%swap3A, %swap3A_62] : memref<2000x16xf32, #tpu.memory_space<vmem>>, vector<2000x16xf32>
      tpu.vector_store %arg13[%swap3A, %swap3A_62], %max3A_36 {strides = array<i32>} : memref<2000x16xf32, #tpu.memory_space<vmem>>, vector<2000x16xf32>,
      %mul3A_64 = vector.broadcast %get3A_39 : f32 to vector<2000x16xf32>
      %mul3A_65 = arith.mulf %max3A_36, %mul3A_64 : vector<2000x16xf32>
      %swap3A_66 = arith.constant 0 : index
      %swap3A_67 = arith.constant 0 : index
      %swap3A_68 = vector.load %arg14[%swap3A_66, %swap3A_67] : memref<2000x16xf32, #tpu.memory_space<vmem>>, vector<2000x16xf32>
      tpu.vector_store %arg14[%swap3A_66, %swap3A_67], %mul3A_65 {strides = array<i32>} : memref<2000x16xf32, #tpu.memory_space<vmem>>, vector<2000x16xf32>,
    } else {
    }
    %gt3A = arith.constant 0 : i32
    %gt3A_45 = arith.cmpi sgt, %arg1, %gt3A : i32
    %convert_element_type3A_46 = arith.extui %gt3A_45 : i1 to i32
    %cond3A_47 = arith.constant 0 : i32
    %cond3A_48 = arith.cmpi ne, %convert_element_type3A_46, %cond3A_47 : i32
    scf.if %cond3A_48 {
      %get3A_62 = arith.constant 0 : index
      %get3A_63 = arith.constant 0 : index
      %get3A_64 = vector.load %arg13[%get3A_62, %get3A_63] : memref<2000x16xf32, #tpu.memory_space<vmem>>, vector<2000x16xf32>
      %max3A_65 = arith.maximumf %get3A_64, %max3A_36 : vector<2000x16xf32>
      %swap3A = arith.constant 0 : index
      %swap3A_66 = arith.constant 0 : index
      %swap3A_67 = vector.load %arg13[%swap3A, %swap3A_66] : memref<2000x16xf32, #tpu.memory_space<vmem>>, vector<2000x16xf32>
      tpu.vector_store %arg13[%swap3A, %swap3A_66], %max3A_65 {strides = array<i32>} : memref<2000x16xf32, #tpu.memory_space<vmem>>, vector<2000x16xf32>,
      %get3A_68 = arith.constant 0 : index
      %get3A_69 = arith.constant 0 : index
      %get3A_70 = vector.load %arg14[%get3A_68, %get3A_69] : memref<2000x16xf32, #tpu.memory_space<vmem>>, vector<2000x16xf32>
      %mul3A_71 = vector.broadcast %get3A_39 : f32 to vector<2000x16xf32>
      %mul3A_72 = arith.mulf %max3A_36, %mul3A_71 : vector<2000x16xf32>
      %add3A_73 = arith.addf %get3A_70, %mul3A_72 : vector<2000x16xf32>
      %swap3A_74 = arith.constant 0 : index
      %swap3A_75 = arith.constant 0 : index
      %swap3A_76 = vector.load %arg14[%swap3A_74, %swap3A_75] : memref<2000x16xf32, #tpu.memory_space<vmem>>, vector<2000x16xf32>
      tpu.vector_store %arg14[%swap3A_74, %swap3A_75], %add3A_73 {strides = array<i32>} : memref<2000x16xf32, #tpu.memory_space<vmem>>, vector<2000x16xf32>,
    } else {
    }
    %eq3A_49 = arith.constant 15 : i32
    %eq3A_50 = arith.cmpi eq, %arg1, %eq3A_49 : i32
    %convert_element_type3A_51 = arith.extui %eq3A_50 : i1 to i32
    %cond3A_52 = arith.constant 0 : i32
    %cond3A_53 = arith.cmpi ne, %convert_element_type3A_51, %cond3A_52 : i32
    scf.if %cond3A_53 {
      %get3A_62 = arith.constant 0 : index
      %get3A_63 = arith.constant 0 : index
      %get3A_64 = vector.load %arg14[%get3A_62, %get3A_63] : memref<2000x16xf32, #tpu.memory_space<vmem>>, vector<2000x16xf32>
      %get3A_65 = arith.constant 0 : index
      %get3A_66 = arith.constant 0 : index
      %get3A_67 = memref.load %arg9[%get3A_65, %get3A_66] : memref<1x1xf32, #tpu.memory_space<smem>>
      %add3A_68 = vector.broadcast %get3A_67 : f32 to vector<2000x16xf32>
      %add3A_69 = arith.addf %get3A_64, %add3A_68 : vector<2000x16xf32>
      %reduce_max3A = arith.constant dense<0xFF800000> : vector<2000xf32>
      %reduce_max3A_70 = vector.multi_reduction <maximumf>, %add3A_69, %reduce_max3A [1] : vector<2000x16xf32> to vector<2000xf32>
      %broadcast_in_dim3A_71 = vector.shape_cast %reduce_max3A_70 : vector<2000xf32> to vector<2000x1xf32>
      %sub3A_72 = vector.broadcast %broadcast_in_dim3A_71 : vector<2000x1xf32> to vector<2000x16xf32>
      %sub3A_73 = arith.subf %add3A_69, %sub3A_72 : vector<2000x16xf32>
      %exp3A = math.exp %sub3A_73 : vector<2000x16xf32>
      %reduce_sum3A_74 = arith.constant dense<0.000000e+00> : vector<2000xf32>
      %reduce_sum3A_75 = vector.multi_reduction <add>, %exp3A, %reduce_sum3A_74 [1] : vector<2000x16xf32> to vector<2000xf32>
      %broadcast_in_dim3A_76 = vector.shape_cast %reduce_sum3A_75 : vector<2000xf32> to vector<2000x1xf32>
      %div3A = vector.broadcast %broadcast_in_dim3A_76 : vector<2000x1xf32> to vector<2000x16xf32>
      %div3A_77 = arith.divf %exp3A, %div3A : vector<2000x16xf32>
      %get3A_78 = arith.constant 0 : index
      %get3A_79 = arith.constant 0 : index
      %get3A_80 = vector.load %arg13[%get3A_78, %get3A_79] : memref<2000x16xf32, #tpu.memory_space<vmem>>, vector<2000x16xf32>
      %add3A_81 = arith.constant 1.000000e+00 : f32
      %add3A_82 = vector.broadcast %add3A_81 : f32 to vector<2000x16xf32>
      %add3A_83 = arith.addf %add3A_82, %div3A_77 : vector<2000x16xf32>
      %mul3A_84 = arith.mulf %get3A_80, %add3A_83 : vector<2000x16xf32>
      %swap3A = arith.constant 0 : index
      %swap3A_85 = arith.constant 0 : index
      %swap3A_86 = vector.load %arg10[%swap3A, %swap3A_85] : memref<2000x16xf32, #tpu.memory_space<vmem>>, vector<2000x16xf32>
      tpu.vector_store %arg10[%swap3A, %swap3A_85], %mul3A_84 {strides = array<i32>} : memref<2000x16xf32, #tpu.memory_space<vmem>>, vector<2000x16xf32>,
      %get3A_87 = arith.constant 0 : index
      %get3A_88 = arith.constant 0 : index
      %get3A_89 = vector.load %arg15[%get3A_87, %get3A_88] : memref<1x16xf32, #tpu.memory_space<vmem>>, vector<1x16xf32>
      %reduce_sum3A_90 = arith.constant dense<0.000000e+00> : vector<16xf32>
      %reduce_sum3A_91 = vector.multi_reduction <add>, %mul3A_84, %reduce_sum3A_90 [0] : vector<2000x16xf32> to vector<16xf32>
      %broadcast_in_dim3A_92 = vector.shape_cast %reduce_sum3A_91 : vector<16xf32> to vector<1x16xf32>
      %add3A_93 = arith.addf %get3A_89, %broadcast_in_dim3A_92 : vector<1x16xf32>
      %swap3A_94 = arith.constant 0 : index
      %swap3A_95 = arith.constant 0 : index
      %swap3A_96 = vector.load %arg15[%swap3A_94, %swap3A_95] : memref<1x16xf32, #tpu.memory_space<vmem>>, vector<1x16xf32>
      tpu.vector_store %arg15[%swap3A_94, %swap3A_95], %add3A_93 {strides = array<i32>} : memref<1x16xf32, #tpu.memory_space<vmem>>, vector<1x16xf32>,
      %get3A_97 = arith.constant 0 : index
      %get3A_98 = arith.constant 0 : index
      %get3A_99 = vector.load %arg16[%get3A_97, %get3A_98] : memref<16x16xf32, #tpu.memory_space<vmem>>, vector<16x16xf32>
      %dot_general3A_100 = arith.constant dense<0.000000e+00> : vector<16x16xf32>
      %dot_general3A_101 = tpu.matmul %mul3A_84, %mul3A_84, %dot_general3A_100 {dimension_numbers = #tpu.dot_dimension_numbers<[0], [0], [1], [1], [0, 1, 1, 1], [], []>, precision = #tpu.contract_precision<fp32>, transpose_lhs_hint = false} : vector<2000x16xf32>, vector<2000x16xf32>, vector<16x16xf32> -> vector<16x16xf32>
      %add3A_102 = arith.addf %get3A_99, %dot_general3A_101 : vector<16x16xf32>
      %swap3A_103 = arith.constant 0 : index
      %swap3A_104 = arith.constant 0 : index
      %swap3A_105 = vector.load %arg16[%swap3A_103, %swap3A_104] : memref<16x16xf32, #tpu.memory_space<vmem>>, vector<16x16xf32>
      tpu.vector_store %arg16[%swap3A_103, %swap3A_104], %add3A_102 {strides = array<i32>} : memref<16x16xf32, #tpu.memory_space<vmem>>, vector<16x16xf32>,
    } else {
    }
    %eq3A_54 = arith.constant 49 : i32
    %eq3A_55 = arith.cmpi eq, %arg0, %eq3A_54 : i32
    %eq3A_56 = arith.constant 15 : i32
    %eq3A_57 = arith.cmpi eq, %arg1, %eq3A_56 : i32
    %and3A_58 = arith.andi %eq3A_55, %eq3A_57 : i1
    %convert_element_type3A_59 = arith.extui %and3A_58 : i1 to i32
    %cond3A_60 = arith.constant 0 : i32
    %cond3A_61 = arith.cmpi ne, %convert_element_type3A_59, %cond3A_60 : i32
    scf.if %cond3A_61 {
      %get3A_62 = arith.constant 0 : index
      %get3A_63 = arith.constant 0 : index
      %get3A_64 = vector.load %arg15[%get3A_62, %get3A_63] : memref<1x16xf32, #tpu.memory_space<vmem>>, vector<1x16xf32>
      %swap3A = arith.constant 0 : index
      %swap3A_65 = arith.constant 0 : index
      %swap3A_66 = vector.load %arg11[%swap3A, %swap3A_65] : memref<1x16xf32, #tpu.memory_space<vmem>>, vector<1x16xf32>
      tpu.vector_store %arg11[%swap3A, %swap3A_65], %get3A_64 {strides = array<i32>} : memref<1x16xf32, #tpu.memory_space<vmem>>, vector<1x16xf32>,
      %get3A_67 = arith.constant 0 : index
      %get3A_68 = arith.constant 0 : index
      %get3A_69 = vector.load %arg16[%get3A_67, %get3A_68] : memref<16x16xf32, #tpu.memory_space<vmem>>, vector<16x16xf32>
      %swap3A_70 = arith.constant 0 : index
      %swap3A_71 = arith.constant 0 : index
      %swap3A_72 = vector.load %arg12[%swap3A_70, %swap3A_71] : memref<16x16xf32, #tpu.memory_space<vmem>>, vector<16x16xf32>
      tpu.vector_store %arg12[%swap3A_70, %swap3A_71], %get3A_69 {strides = array<i32>} : memref<16x16xf32, #tpu.memory_space<vmem>>, vector<16x16xf32>,
    } else {
    }
    return
  }
  func.func @transform_0(%arg0: i32, %arg1: i32) -> (i32, i32, i32) {
    %c0_i32 = arith.constant 0 : i32
    %c0_i32_0 = arith.constant 0 : i32
    return %arg1, %arg0, %c0_i32 : i32, i32, i32
  }
  func.func @transform_1(%arg0: i32, %arg1: i32) -> (i32, i32) {
    %c0_i32 = arith.constant 0 : i32
    %c0_i32_0 = arith.constant 0 : i32
    return %arg0, %c0_i32 : i32, i32
  }
  func.func @transform_2(%arg0: i32, %arg1: i32) -> (i32, i32) {
    %c0_i32 = arith.constant 0 : i32
    %c0_i32_0 = arith.constant 0 : i32
    %c0_i32_1 = arith.constant 0 : i32
    return %c0_i32, %c0_i32_0 : i32, i32
  }
  func.func @transform_3(%arg0: i32, %arg1: i32) -> (i32, i32) {
    %c0_i32 = arith.constant 0 : i32
    %c0_i32_0 = arith.constant 0 : i32
    %c0_i32_1 = arith.constant 0 : i32
    return %c0_i32, %c0_i32_0 : i32, i32
  }
  func.func @transform_4(%arg0: i32, %arg1: i32) -> (i32, i32) {
    %c0_i32 = arith.constant 0 : i32
    %c0_i32_0 = arith.constant 0 : i32
    %c0_i32_1 = arith.constant 0 : i32
    return %c0_i32, %c0_i32_0 : i32, i32
  }
  func.func @transform_5(%arg0: i32, %arg1: i32) -> (i32, i32) {
    %c0_i32 = arith.constant 0 : i32
    %c0_i32_0 = arith.constant 0 : i32
    %c0_i32_1 = arith.constant 0 : i32
    return %c0_i32, %c0_i32_0 : i32, i32
  }
  func.func @transform_6(%arg0: i32, %arg1: i32) -> (i32, i32) {
    %c0_i32 = arith.constant 0 : i32
    %c0_i32_0 = arith.constant 0 : i32
    %c0_i32_1 = arith.constant 0 : i32
    return %c0_i32, %c0_i32_0 : i32, i32
  }
  func.func @transform_7(%arg0: i32, %arg1: i32) -> (i32, i32) {
    %c0_i32 = arith.constant 0 : i32
    %c0_i32_0 = arith.constant 0 : i32
    %c0_i32_1 = arith.constant 0 : i32
    return %c0_i32, %c0_i32_0 : i32, i32
  }
  func.func @transform_8(%arg0: i32, %arg1: i32) -> (i32, i32) {
    %c0_i32 = arith.constant 0 : i32
    %c0_i32_0 = arith.constant 0 : i32
    return %arg0, %c0_i32 : i32, i32
  }
  func.func @transform_9(%arg0: i32, %arg1: i32) -> (i32, i32) {
    %c0_i32 = arith.constant 0 : i32
    %c0_i32_0 = arith.constant 0 : i32
    %c0_i32_1 = arith.constant 0 : i32
    return %c0_i32, %c0_i32_0 : i32, i32
  }
  func.func @transform_10(%arg0: i32, %arg1: i32) -> (i32, i32) {
    %c0_i32 = arith.constant 0 : i32
    %c0_i32_0 = arith.constant 0 : i32
    %c0_i32_1 = arith.constant 0 : i32
    return %c0_i32, %c0_i32_0 : i32, i32
  }
}

module attributes {stable_mosaic.version = 14 : i64} {
  func.func @kfn(%arg0: i32, %arg1: memref<2000x16xf32, #tpu.memory_space<vmem>>, %arg2: memref<2000x32xf32, #tpu.memory_space<vmem>>, %arg3: memref<16x64xf32, #tpu.memory_space<vmem>>, %arg4: memref<1x64xf32, #tpu.memory_space<vmem>>, %arg5: memref<32x64xf32, #tpu.memory_space<vmem>>, %arg6: memref<1x64xf32, #tpu.memory_space<vmem>>, %arg7: memref<2000x64xf32, #tpu.memory_space<vmem>>, %arg8: memref<1x64xf32, #tpu.memory_space<vmem>>, %arg9: memref<64x64xf32, #tpu.memory_space<vmem>>, %arg10: memref<1x64xf32, #tpu.memory_space<vmem>>, %arg11: memref<64x64xf32, #tpu.memory_space<vmem>>) attributes {dimension_semantics = [#tpu.dimension_semantics<arbitrary>], iteration_bounds = array<i64: 50>, scalar_prefetch = 0 : i64, scratch_operands = 2 : i64, tpu.core_type = #tpu.core_type<tc>, window_params = [{transform_indices = @transform_0, window_bounds = array<i64: 2000, 16>}, {transform_indices = @transform_1, window_bounds = array<i64: 2000, 32>}, {pipeline_mode = #tpu.pipeline_mode<synchronous>, transform_indices = @transform_2, window_bounds = array<i64: 16, 64>}, {pipeline_mode = #tpu.pipeline_mode<synchronous>, transform_indices = @transform_3, window_bounds = array<i64: 1, 64>}, {pipeline_mode = #tpu.pipeline_mode<synchronous>, transform_indices = @transform_4, window_bounds = array<i64: 32, 64>}, {pipeline_mode = #tpu.pipeline_mode<synchronous>, transform_indices = @transform_5, window_bounds = array<i64: 1, 64>}, {transform_indices = @transform_6, window_bounds = array<i64: 2000, 64>}, {pipeline_mode = #tpu.pipeline_mode<synchronous>, transform_indices = @transform_7, window_bounds = array<i64: 1, 64>}, {pipeline_mode = #tpu.pipeline_mode<synchronous>, transform_indices = @transform_8, window_bounds = array<i64: 64, 64>}]} {
    %eq3A = arith.constant 0 : i32
    %eq3A_0 = arith.cmpi eq, %arg0, %eq3A : i32
    %convert_element_type3A = arith.extui %eq3A_0 : i1 to i32
    %cond3A = arith.constant 0 : i32
    %cond3A_1 = arith.cmpi ne, %convert_element_type3A, %cond3A : i32
    scf.if %cond3A_1 {
      %broadcast_in_dim3A_55 = arith.constant 0.000000e+00 : f32
      %broadcast_in_dim3A_56 = vector.broadcast %broadcast_in_dim3A_55 : f32 to vector<1x64xf32>
      %swap3A_57 = arith.constant 0 : index
      %swap3A_58 = arith.constant 0 : index
      %swap3A_59 = vector.load %arg10[%swap3A_57, %swap3A_58] : memref<1x64xf32, #tpu.memory_space<vmem>>, vector<1x64xf32>
      tpu.vector_store %arg10[%swap3A_57, %swap3A_58], %broadcast_in_dim3A_56 {strides = array<i32>} : memref<1x64xf32, #tpu.memory_space<vmem>>, vector<1x64xf32>,
      %broadcast_in_dim3A_60 = arith.constant 0.000000e+00 : f32
      %broadcast_in_dim3A_61 = vector.broadcast %broadcast_in_dim3A_60 : f32 to vector<64x64xf32>
      %swap3A_62 = arith.constant 0 : index
      %swap3A_63 = arith.constant 0 : index
      %swap3A_64 = vector.load %arg11[%swap3A_62, %swap3A_63] : memref<64x64xf32, #tpu.memory_space<vmem>>, vector<64x64xf32>
      tpu.vector_store %arg11[%swap3A_62, %swap3A_63], %broadcast_in_dim3A_61 {strides = array<i32>} : memref<64x64xf32, #tpu.memory_space<vmem>>, vector<64x64xf32>,
    } else {
    }
    %get3A = arith.constant 0 : index
    %get3A_2 = arith.constant 0 : index
    %get3A_3 = vector.load %arg1[%get3A, %get3A_2] : memref<2000x16xf32, #tpu.memory_space<vmem>>, vector<2000x16xf32>
    %get3A_4 = arith.constant 0 : index
    %get3A_5 = arith.constant 0 : index
    %get3A_6 = vector.load %arg3[%get3A_4, %get3A_5] : memref<16x64xf32, #tpu.memory_space<vmem>>, vector<16x64xf32>
    %dot_general3A = arith.constant dense<0.000000e+00> : vector<2000x64xf32>
    %dot_general3A_7 = tpu.matmul %get3A_3, %get3A_6, %dot_general3A {dimension_numbers = #tpu.dot_dimension_numbers<[1], [0], [0], [1], [0, 0, 1, 1], [], []>, precision = #tpu.contract_precision<fp32>, transpose_lhs_hint = false} : vector<2000x16xf32>, vector<16x64xf32>, vector<2000x64xf32> -> vector<2000x64xf32>
    %get3A_8 = arith.constant 0 : index
    %get3A_9 = arith.constant 0 : index
    %get3A_10 = vector.load %arg4[%get3A_8, %get3A_9] : memref<1x64xf32, #tpu.memory_space<vmem>>, vector<1x64xf32>
    %add3A = vector.broadcast %get3A_10 : vector<1x64xf32> to vector<2000x64xf32>
    %add3A_11 = arith.addf %dot_general3A_7, %add3A : vector<2000x64xf32>
    %max3A = arith.constant 0.000000e+00 : f32
    %max3A_12 = vector.broadcast %max3A : f32 to vector<2000x64xf32>
    %max3A_13 = arith.maximumf %add3A_11, %max3A_12 : vector<2000x64xf32>
    %get3A_14 = arith.constant 0 : index
    %get3A_15 = arith.constant 0 : index
    %get3A_16 = vector.load %arg2[%get3A_14, %get3A_15] : memref<2000x32xf32, #tpu.memory_space<vmem>>, vector<2000x32xf32>
    %get3A_17 = arith.constant 0 : index
    %get3A_18 = arith.constant 0 : index
    %get3A_19 = vector.load %arg5[%get3A_17, %get3A_18] : memref<32x64xf32, #tpu.memory_space<vmem>>, vector<32x64xf32>
    %dot_general3A_20 = arith.constant dense<0.000000e+00> : vector<2000x64xf32>
    %dot_general3A_21 = tpu.matmul %get3A_16, %get3A_19, %dot_general3A_20 {dimension_numbers = #tpu.dot_dimension_numbers<[1], [0], [0], [1], [0, 0, 1, 1], [], []>, precision = #tpu.contract_precision<fp32>, transpose_lhs_hint = false} : vector<2000x32xf32>, vector<32x64xf32>, vector<2000x64xf32> -> vector<2000x64xf32>
    %get3A_22 = arith.constant 0 : index
    %get3A_23 = arith.constant 0 : index
    %get3A_24 = vector.load %arg6[%get3A_22, %get3A_23] : memref<1x64xf32, #tpu.memory_space<vmem>>, vector<1x64xf32>
    %add3A_25 = vector.broadcast %get3A_24 : vector<1x64xf32> to vector<2000x64xf32>
    %add3A_26 = arith.addf %dot_general3A_21, %add3A_25 : vector<2000x64xf32>
    %max3A_27 = arith.constant 0.000000e+00 : f32
    %max3A_28 = vector.broadcast %max3A_27 : f32 to vector<2000x64xf32>
    %max3A_29 = arith.maximumf %add3A_26, %max3A_28 : vector<2000x64xf32>
    %add3A_30 = arith.addf %max3A_13, %max3A_29 : vector<2000x64xf32>
    %swap3A = arith.constant 0 : index
    %swap3A_31 = arith.constant 0 : index
    %swap3A_32 = vector.load %arg7[%swap3A, %swap3A_31] : memref<2000x64xf32, #tpu.memory_space<vmem>>, vector<2000x64xf32>
    tpu.vector_store %arg7[%swap3A, %swap3A_31], %add3A_30 {strides = array<i32>} : memref<2000x64xf32, #tpu.memory_space<vmem>>, vector<2000x64xf32>,
    %get3A_33 = arith.constant 0 : index
    %get3A_34 = arith.constant 0 : index
    %get3A_35 = vector.load %arg10[%get3A_33, %get3A_34] : memref<1x64xf32, #tpu.memory_space<vmem>>, vector<1x64xf32>
    %reduce_sum3A = arith.constant dense<0.000000e+00> : vector<64xf32>
    %reduce_sum3A_36 = vector.multi_reduction <add>, %add3A_30, %reduce_sum3A [0] : vector<2000x64xf32> to vector<64xf32>
    %broadcast_in_dim3A = vector.shape_cast %reduce_sum3A_36 : vector<64xf32> to vector<1x64xf32>
    %add3A_37 = arith.addf %get3A_35, %broadcast_in_dim3A : vector<1x64xf32>
    %swap3A_38 = arith.constant 0 : index
    %swap3A_39 = arith.constant 0 : index
    %swap3A_40 = vector.load %arg10[%swap3A_38, %swap3A_39] : memref<1x64xf32, #tpu.memory_space<vmem>>, vector<1x64xf32>
    tpu.vector_store %arg10[%swap3A_38, %swap3A_39], %add3A_37 {strides = array<i32>} : memref<1x64xf32, #tpu.memory_space<vmem>>, vector<1x64xf32>,
    %get3A_41 = arith.constant 0 : index
    %get3A_42 = arith.constant 0 : index
    %get3A_43 = vector.load %arg11[%get3A_41, %get3A_42] : memref<64x64xf32, #tpu.memory_space<vmem>>, vector<64x64xf32>
    %dot_general3A_44 = arith.constant dense<0.000000e+00> : vector<64x64xf32>
    %dot_general3A_45 = tpu.matmul %add3A_30, %add3A_30, %dot_general3A_44 {dimension_numbers = #tpu.dot_dimension_numbers<[0], [0], [1], [1], [0, 1, 1, 1], [], []>, precision = #tpu.contract_precision<fp32>, transpose_lhs_hint = false} : vector<2000x64xf32>, vector<2000x64xf32>, vector<64x64xf32> -> vector<64x64xf32>
    %add3A_46 = arith.addf %get3A_43, %dot_general3A_45 : vector<64x64xf32>
    %swap3A_47 = arith.constant 0 : index
    %swap3A_48 = arith.constant 0 : index
    %swap3A_49 = vector.load %arg11[%swap3A_47, %swap3A_48] : memref<64x64xf32, #tpu.memory_space<vmem>>, vector<64x64xf32>
    tpu.vector_store %arg11[%swap3A_47, %swap3A_48], %add3A_46 {strides = array<i32>} : memref<64x64xf32, #tpu.memory_space<vmem>>, vector<64x64xf32>,
    %eq3A_50 = arith.constant 49 : i32
    %eq3A_51 = arith.cmpi eq, %arg0, %eq3A_50 : i32
    %convert_element_type3A_52 = arith.extui %eq3A_51 : i1 to i32
    %cond3A_53 = arith.constant 0 : i32
    %cond3A_54 = arith.cmpi ne, %convert_element_type3A_52, %cond3A_53 : i32
    scf.if %cond3A_54 {
      %get3A_55 = arith.constant 0 : index
      %get3A_56 = arith.constant 0 : index
      %get3A_57 = vector.load %arg10[%get3A_55, %get3A_56] : memref<1x64xf32, #tpu.memory_space<vmem>>, vector<1x64xf32>
      %swap3A_58 = arith.constant 0 : index
      %swap3A_59 = arith.constant 0 : index
      %swap3A_60 = vector.load %arg8[%swap3A_58, %swap3A_59] : memref<1x64xf32, #tpu.memory_space<vmem>>, vector<1x64xf32>
      tpu.vector_store %arg8[%swap3A_58, %swap3A_59], %get3A_57 {strides = array<i32>} : memref<1x64xf32, #tpu.memory_space<vmem>>, vector<1x64xf32>,
      %get3A_61 = arith.constant 0 : index
      %get3A_62 = arith.constant 0 : index
      %get3A_63 = vector.load %arg11[%get3A_61, %get3A_62] : memref<64x64xf32, #tpu.memory_space<vmem>>, vector<64x64xf32>
      %swap3A_64 = arith.constant 0 : index
      %swap3A_65 = arith.constant 0 : index
      %swap3A_66 = vector.load %arg9[%swap3A_64, %swap3A_65] : memref<64x64xf32, #tpu.memory_space<vmem>>, vector<64x64xf32>
      tpu.vector_store %arg9[%swap3A_64, %swap3A_65], %get3A_63 {strides = array<i32>} : memref<64x64xf32, #tpu.memory_space<vmem>>, vector<64x64xf32>,
    } else {
    }
    return
  }
  func.func @transform_0(%arg0: i32) -> (i32, i32) {
    %c0_i32 = arith.constant 0 : i32
    %c0_i32_0 = arith.constant 0 : i32
    return %arg0, %c0_i32 : i32, i32
  }
  func.func @transform_1(%arg0: i32) -> (i32, i32) {
    %c0_i32 = arith.constant 0 : i32
    %c0_i32_0 = arith.constant 0 : i32
    return %arg0, %c0_i32 : i32, i32
  }
  func.func @transform_2(%arg0: i32) -> (i32, i32) {
    %c0_i32 = arith.constant 0 : i32
    %c0_i32_0 = arith.constant 0 : i32
    %c0_i32_1 = arith.constant 0 : i32
    return %c0_i32, %c0_i32_0 : i32, i32
  }
  func.func @transform_3(%arg0: i32) -> (i32, i32) {
    %c0_i32 = arith.constant 0 : i32
    %c0_i32_0 = arith.constant 0 : i32
    %c0_i32_1 = arith.constant 0 : i32
    return %c0_i32, %c0_i32_0 : i32, i32
  }
  func.func @transform_4(%arg0: i32) -> (i32, i32) {
    %c0_i32 = arith.constant 0 : i32
    %c0_i32_0 = arith.constant 0 : i32
    %c0_i32_1 = arith.constant 0 : i32
    return %c0_i32, %c0_i32_0 : i32, i32
  }
  func.func @transform_5(%arg0: i32) -> (i32, i32) {
    %c0_i32 = arith.constant 0 : i32
    %c0_i32_0 = arith.constant 0 : i32
    %c0_i32_1 = arith.constant 0 : i32
    return %c0_i32, %c0_i32_0 : i32, i32
  }
  func.func @transform_6(%arg0: i32) -> (i32, i32) {
    %c0_i32 = arith.constant 0 : i32
    %c0_i32_0 = arith.constant 0 : i32
    return %arg0, %c0_i32 : i32, i32
  }
  func.func @transform_7(%arg0: i32) -> (i32, i32) {
    %c0_i32 = arith.constant 0 : i32
    %c0_i32_0 = arith.constant 0 : i32
    %c0_i32_1 = arith.constant 0 : i32
    return %c0_i32, %c0_i32_0 : i32, i32
  }
  func.func @transform_8(%arg0: i32) -> (i32, i32) {
    %c0_i32 = arith.constant 0 : i32
    %c0_i32_0 = arith.constant 0 : i32
    %c0_i32_1 = arith.constant 0 : i32
    return %c0_i32, %c0_i32_0 : i32, i32
  }
}

</mosaic_0001>

<sc_bundles>
// kernel: kernel.22.cloned.1.call-start
scs
__scs_entry_jumppad:
0x0: {  	(pc) =	sbr.rel $0x88, $3  }
0x1: {  	(tag) =	ssettag $0x0;
	lr =	simm.s32 $0x1  }
0x2: {  	[smem:$0x3F7C] =	sst lr;
	_ =	strace $0xD0000000  }
0x3: {  	_ = 	snop  }
0x4: {  	_ = 	snop  }
0x5: {  	_ = 	snop  }
0x6: {  	_ = 	snop  }
0x7: {  	_ = 	snop  }
__scs_overlays_trampoline_lowered:
0x8: {  	[smem:$0x3F8B] =	sst s0  }
0x9: {  	[smem:$0x3F8C] =	sst s1  }
0xa: {  	[smem:$0x3F8D] =	sst s2  }
0xb: {  	[smem:$0x3F8E] =	sst s3  }
0xc: {  	[smem:$0x3F8F] =	sst s4  }
0xd: {  	[smem:$0x3F90] =	sst s5  }
0xe: {  	[smem:$0x3F91] =	sst s6  }
0xf: {  	[smem:$0x3F92] =	sst s7  }
0x10: {  	[smem:$0x3F93] =	sst s8  }
0x11: {  	[smem:$0x3F94] =	sst s9;
	s0 =	simm.s32 @!p0 $0x0  }
0x12: {  	s1 =	sld [smem:$0x3F7A];
	s0 =	simm.s32 @p0 $0x1  }
0x13: {  	[smem:$0x3F95] =	sst s0;
	s0 =	simm.s32 @!p1 $0x0  }
0x14: {  	s2 =	sld [smem:$0x3F79];
	s0 =	simm.s32 @p1 $0x1  }
0x15: {  	[smem:$0x3F96] =	sst s0;
	s0 =	simm.s32 @!p2 $0x0  }
0x16: {  	s3 =	sld [smem:$0x3FDB];
	s0 =	simm.s32 @p2 $0x1  }
0x17: {  	s4 =	simm.s32 $0x1BF5;
	[smem:$0x3F98] =	sst s0  }
0x18: {  	s0 =	sld [smem:$0x3F7B];
	_ =	swait.ge [sflag:s4], $0x0  }
0x19: {  	s7 =	sld [smem:$0x3F7C]  }
0x1a: {  	s8 =	sadd.s32 $0xFFFFE003, lr  }
0x1b: {  	s9 =	sadd.s32 $0xFFFFFEF7, lr;
	s5 =	simm.s32 $0xFFFFFFFF;
	p2 =	slt.u32 s8, $0xFFFFF086  }
0x1c: {  	p1 =	slt.u32 s9, $0xF7A;
	s5 =	simm.s32 @!p2 $0x0  }
0x1d: {  	s5 =	simm.s32 @p1 $0x1;
	p0 =	seq.s32 s7, s2  }
0x1e: {  	s7 =	smul.u32 @!p0 $0xF7A, s2;
	p2 =	seq.s32 @!p0 s5, $0x0  }
0x1f: {  	s9 =	smul.u32 $0xF7A, s1;
	s8 =	simm.s32 @!p0 $0x1BF5;
	p2 =	por !p2, p0  }
0x20: {  	[sflag:s8] =	ssyncset.s32 @!p0 $0xFFFFF086;
	s6 =	sadd.s32 @!p0 s3, s7;
	s7 =	simm.s32 @!p0 $0x108  }
0x21: {  	s3 =	sadd.s32 s3, s9;
	s6 =	sadd.s32 @!p0 $0x88, s6;
	s7 =	simm.s32 @p2 $0x1082  }
0x22: {  	[simem:s7], [sflag:s8] =	dma.local @!p0 [hbm:s6], $0xF7A  }
0x23: {  	s9 =	sor.u32 $0xD0000000, s2;
	s6 =	simm.s32 $0x108;
	_ =	swait.ge @!p0 [sflag:s8], $0x0  }
0x24: {  	s3 =	sadd.s32 $0x88, s3;
	s6 =	simm.s32 @!p1 $0x1082;
	[sflag:s4] =	ssyncset.s32 $0xFFFFF086  }
0x25: {  	[simem:s6], [sflag:s4] =	dma.local [hbm:s3], $0xF7A  }
0x26: {  	[smem:$0x3F7C] =	sst s1;
	(tag) =	ssettag s2;
	_ =	strace s9  }
0x27: {  	s1 =	sld [smem:$0x3F8C]  }
0x28: {  	s2 =	sld [smem:$0x3F8D]  }
0x29: {  	s4 =	sld [smem:$0x3F8F]  }
0x2a: {  	p0 =	seq.s32 s5, $0x0;
	s5 =	sld [smem:$0x3F90]  }
0x2b: {  	s6 =	sld [smem:$0x3F91]  }
0x2c: {  	s7 =	sld [smem:$0x3F92]  }
0x2d: {  	s3 =	simm.s32 $0x108;
	s8 =	sld [smem:$0x3F93]  }
0x2e: {  	s3 =	simm.s32 @!p0 $0x1082;
	s9 =	sld [smem:$0x3F94]  }
0x2f: {  	lr =	sadd.s32 s0, s3;
	s0 =	sld [smem:$0x3F8B]  }
0x30: {  	s3 =	sld [smem:$0x3F8E]  }
0x31: {  	[smem:$0x3F97] =	sst s10  }
0x32: {  	s10 =	sld [smem:$0x3F95];
	_ =	sdelay $0x3  }
0x33: {  	p0 =	seq.s32 s10, $0x1;
	s10 =	sld [smem:$0x3F97];
	_ =	sdelay $0x3  }
0x34: {  	[smem:$0x3F97] =	sst s10  }
0x35: {  	s10 =	sld [smem:$0x3F96];
	_ =	sdelay $0x3  }
0x36: {  	p1 =	seq.s32 s10, $0x1;
	s10 =	sld [smem:$0x3F97];
	_ =	sdelay $0x3  }
0x37: {  	[smem:$0x3F97] =	sst s10  }
0x38: {  	s10 =	sld [smem:$0x3F98]  }
0x39: {  	_ = 	snop;
	(pc) =	sbr.ind lr, $3  }
0x3a: {  	_ = 	snop  }
0x3b: {  	_ = 	snop  }
0x3c: {  	p2 =	seq.s32 s10, $0x1;
	s10 =	sld [smem:$0x3F97]  }
0x3d: {  	_ =	shalt  }
0x3e: {  	_ =	shalt  }
0x3f: {  	_ =	shalt  }
0x40: {  	_ =	shalt  }
0x41: {  	_ =	shalt  }
0x42: {  	_ =	shalt  }
0x43: {  	_ =	shalt  }
0x44: {  	_ =	shalt  }
0x45: {  	_ =	shalt  }
0x46: {  	_ =	shalt  }
0x47: {  	_ =	shalt  }
0x48: {  	_ =	shalt  }
0x49: {  	_ =	shalt  }
0x4a: {  	_ =	shalt  }
0x4b: {  	_ =	shalt  }
0x4c: {  	_ =	shalt  }
0x4d: {  	_ =	shalt  }
0x4e: {  	_ =	shalt  }
0x4f: {  	_ =	shalt  }
0x50: {  	_ =	shalt  }
0x51: {  	_ =	shalt  }
0x52: {  	_ =	shalt  }
0x53: {  	_ =	shalt  }
0x54: {  	_ =	shalt  }
0x55: {  	_ =	shalt  }
0x56: {  	_ =	shalt  }
0x57: {  	_ =	shalt  }
0x58: {  	_ =	shalt  }
0x59: {  	_ =	shalt  }
0x5a: {  	_ =	shalt  }
0x5b: {  	_ =	shalt  }
0x5c: {  	_ =	shalt  }
0x5d: {  	_ =	shalt  }
0x5e: {  	_ =	shalt  }
0x5f: {  	_ =	shalt  }
0x60: {  	_ =	shalt  }
0x61: {  	_ =	shalt  }
0x62: {  	_ =	shalt  }
0x63: {  	_ =	shalt  }
0x64: {  	_ =	shalt  }
0x65: {  	_ =	shalt  }
0x66: {  	_ =	shalt  }
0x67: {  	_ =	shalt  }
0x68: {  	_ =	shalt  }
0x69: {  	_ =	shalt  }
0x6a: {  	_ =	shalt  }
0x6b: {  	_ =	shalt  }
0x6c: {  	_ =	shalt  }
0x6d: {  	_ =	shalt  }
0x6e: {  	_ =	shalt  }
0x6f: {  	_ =	shalt  }
0x70: {  	_ =	shalt  }
0x71: {  	_ =	shalt  }
0x72: {  	_ =	shalt  }
0x73: {  	_ =	shalt  }
0x74: {  	_ =	shalt  }
0x75: {  	_ =	shalt  }
0x76: {  	_ =	shalt  }
0x77: {  	_ =	shalt  }
0x78: {  	_ =	shalt  }
0x79: {  	_ =	shalt  }
0x7a: {  	_ =	shalt  }
0x7b: {  	_ =	shalt  }
0x7c: {  	_ =	shalt  }
0x7d: {  	_ =	shalt  }
0x7e: {  	_ =	shalt  }
0x7f: {  	_ =	shalt  }
0x80: {  	_ =	shalt  }
0x81: {  	_ =	shalt  }
0x82: {  	_ =	shalt  }
0x83: {  	_ =	shalt  }
0x84: {  	_ =	shalt  }
0x85: {  	_ =	shalt  }
0x86: {  	_ =	shalt  }
0x87: {  	_ =	shalt  }
.Lfunc_end0:
.L_simem_size_0:
called_computation_lowered:
.L_overlay_start_0:
0x88: {  	s2 =	sld [smem:$0x3FD9]  }
0x89: {  	s3 =	sld [smem:$0x3FFE];
	_ =	sdelay $0x1  }
0x8a: {  	s1 =	srdreg.scid  }
0x8b: {  	s0 =	sand.u32 $0x1, s1  }
0x8c: {  	s17 =	sshll.u32 s0, $0xA;
	s2 =	sadd.s32 s3, s2  }
0x8d: {  	s2 =	sadd.s32 s2, s17  }
0x8e: {  	[smem:$0x3FA3] =	sst s2  }
0x8f: {  	_ = 	snop  }
0x90: {  	s2 =	sld [smem:$0x3FD0];
	(tm) =	ssettm $0x1  }
0x91: {  	s18 =	sld [smem:$0x3FFB];
	_ =	sdelay $0x3  }
0x92: {  	_ =	strace s18  }
0x93: {  	s3 =	sld [smem:$0x3FFC];
	_ =	sdelay $0x3  }
0x94: {  	_ =	strace s3  }
0x95: {  	s3 =	sld [smem:$0x3FFD];
	_ =	sdelay $0x3  }
0x96: {  	_ =	strace s3  }
0x97: {  	_ =	strace $0x8FFFFFFF  }
0x98: {  	s19 =	sld [smem:$0x3FDB];
	_ =	sdelay $0x1  }
0x99: {  	s4 =	simm.s32 $_scs_section_size  }
0x9a: {  	s5 =	simm.s32 $_size__tile_overlayer_lowered;
	s6 =	simm.s32 $_tile_overlayer_lowered  }
0x9b: {  	s22 =	simm.s32 $0x1BFF;
	s21 =	sshll.u32 s6, $0x1;
	s3 =	sadd.s32 s4, s19  }
0x9c: {  	s7 =	simm.s32 $0x0;
	s20 =	sshll.u32 s5, $0x1;
	s5 =	sadd.s32 s21, s3  }
0x9d: {  	[timem:s7], [sflag:s22] =	dma.local [hbm:s5], s20  }
0x9e: {  	_ =	swait.ge [sflag:s22], s20  }
0x9f: {  	s4 =	ssub.s32 $0x0, s20;
	[sflag:s22] =	ssyncset.done $0x0  }
0xa0: {  	[sflag:s22] =	ssyncadd.s32 s4;
	_ =	sdelay $0x1  }
0xa1: {  	s23 =	simm.s32 $0x1B8B  }
0xa2: {  	_ =	swait.ge [sflag:s23], $0x1  }
0xa3: {  	[sflag:s23] =	ssyncset.done $0x0  }
0xa4: {  	s25 =	simm.s32 $0x1B8E;
	s24 =	sld [smem:$0x3FFE];
	[sflag:s23] =	ssyncadd.s32 $0xFFFFFFFF  }
0xa5: {  	s26 =	simm.s32 $execute0_lowered;
	[smem:$0x3FD2] =	sst s25  }
0xa6: {  	s5 =	sshll.u32 s26, $0x1;
	_ =	strace $0x80000046;
	[dreg:$0x1] =	wrdreg $0xFFFFFFFF  }
0xa7: {  	s28 =	simm.s32 $_size_execute0_lowered;
	s3 =	sadd.s32 s3, s5;
	[dreg:$0x0] =	wrdreg $0x0  }
0xa8: {  	s5 =	sshll.u32 s28, $0x1;
	[dreg:$0x2] =	wrdreg s3  }
0xa9: {  	[dreg:$0x3] =	wrdreg s5  }
0xaa: {  	[dreg:$0x4] =	wrdreg $0xC0  }
0xab: {  	_ =	task [dreg:s7], $0x5FFFF  }
0xac: {  	[dreg:$0x1] =	wrdreg $0xFFFFFFFF  }
0xad: {  	[dreg:$0x0] =	wrdreg $0x60  }
0xae: {  	[dreg:$0x2] =	wrdreg s2  }
0xaf: {  	[dreg:$0x3] =	wrdreg s24  }
0xb0: {  	[dreg:$0x4] =	wrdreg $0x9  }
0xb1: {  	_ =	task.clear_ibuf [dreg:s7], $0x5FFFF;
	_ =	strace $0x90000046  }
0xb2: {  	s29 =	simm.s32 $0x9;
	_ =	strace $0x80000048  }
0xb3: {  	_ =	swait.ge [sflag:s29], $0x1  }
0xb4: {  	[sflag:s29] =	ssyncadd.s32 $0xFFFFFFFF  }
0xb5: {  	_ =	strace $0x90000048  }
0xb6: {  	_ =	sfence  }
0xb7: {  	s30 =	sld [smem:$0x0];
	_ =	sdelay $0x2  }
0xb8: {  	s31 =	sshll.u32 s1, $0xD;
	s1 =	sshrl.u32 s1, $0x2  }
0xb9: {  	s3 =	sand.u32 $0x4000, s31;
	s1 =	sadd.s32 s1, s30  }
0xba: {  	s0 =	sor.u32 s3, s0;
	s1 =	sshll.u32 s1, $0x11  }
0xbb: {  	s0 =	sor.u32 s1, s0  }
0xbc: {  	s0 =	sadd.s32 $0x8F2B, s0  }
0xbd: {  	[sflag:s0] =	ssyncadd.remote.s32 $0x1  }
0xbe: {  	_ =	sfence.sel $0xFFFF  }
0xbf: {  	[dreg:$0x0] =	wrdreg $0xFFFFFFFF;
	(pc) =	sbr.abs _section_cstart, $3  }
0xc0: {  	[dreg:$0x1] =	wrdreg $0xFFFFFFFF  }
0xc1: {  	_ =	task.clear_ibuf [dreg:s7], $0x2FFFF;
	_ =	strace $0x9FFFFFFF  }
0xc2: {  	(tm) =	ssettm $0x7FFFFFFF  }
0xc3: {  	_ =	shalt  }
tec
execute0_lowered:
.L_overlay_start_1:
0x0: {  	(tag) =	ssettag $0x1  }
0x1: {  	s6 =	rddreg [dreg:$0x0]  }
0x2: {  	s0 =	stileid.u32;
	s1 =	srdreg.scid  }
0x3: {  	s4 =	rddreg [dreg:$0x1];
	s5 =	smul.u32 $0x186A00, s0  }
0x4: {  	s2 =	simm.s32 $0x0;
	s3 =	sand.u32 $0x1, s1;
	s8 =	smul.u32 $0x186A0, s0  }
0x5: {  	s11 =	simm.s32 $0x0;
	s1 =	rddreg [dreg:$0x2];
	s7 =	smul.u32 $0xC3500, s3  }
0x6: {  	[smem:$0x7FF] =	sst s2;
	s9 =	ssub.s32 $0x2, s3;
	s10 =	smul.u32 $0xC350, s3  }
0x7: {  	s3 =	sadd.s32 $0x313400, s4;
	s4 =	sadd.s32 s5, s4;
	s30 =	sshrl.u32 s9, $0x1  }
0x8: {  	_ =	strace $0x80000047;
	s5 =	ssub.s32 s9, s30;
	s7 =	sadd.s32 s7, s4  }
0x9: {  	s8 =	sadd.s32 s10, s8;
	s9 =	simm.s32 $0x200;
	s10 =	simm.s32 $0x1  }
0xa: {  	s4 =	smax.u32 s5, $0x1;
	s5 =	sadd.s32 $0x499E00, s7;
	s31 =	sshrl.u32 s8, $0x3  }
0xb: {  	s7 =	simm.s32 $0x2;
	s8 =	simm.s32 $0x190;
	s6 =	sadd.s32 s31, s6  }
.LBB2_1:
0xc: {  	s12 =	sadd.s32 $0x0, s6  }
0xd: {  	[tilespmem:s2], [sflag:$0x2] =	stream.linear.gather [hbm4b:s12+s2], $0x190, $0x38;
	[tilespmem:$0xCA00] =	vst v63  }
0xe: {  	_ =	swait.ge [sflag:s7], $0x190  }
0xf: {  	[sflag:s7] =	ssyncset.done $0x0  }
0x10: {  	[sflag:s7] =	ssyncadd.s32 $0xFFFFFE70  }
0x11: {  	[tilespmem:s9], [sflag:$0x1] =	stream.indirect.gather [hbm4b:s3+s8], $0x80, s2, s8, $0xb8;
	[tilespmem:$0xCA00] =	vst v63  }
0x12: {  	_ =	swait.ge [sflag:s10], $0xC800  }
0x13: {  	[sflag:s10] =	ssyncset.done $0x0  }
0x14: {  	[sflag:s10] =	ssyncadd.s32 $0xFFFF3800  }
0x15: {  	[hbm4b:s5+s2] =	stream.linear.scatter [tilespmem:s9], [sflag:$0x2], $0xC800, $0x38;
	[tilespmem:$0xCA00] =	vst v63  }
0x16: {  	s13 =	simm.s32 $0x32;
	_ =	swait.ge [sflag:s7], $0xC800  }
0x17: {  	s14 =	simm.s32 $0x64;
	s12 =	sadd.s32 $0x1900, s5;
	[sflag:s7] =	ssyncset.done $0x0  }
.LBB2_2:
0x18: {  	s15 =	sadd.s32 s13, s6  }
0x19: {  	[sflag:s7] =	ssyncadd.s32 $0xFFFF3800;
	s13 =	smov.u32 s14;
	s16 =	sadd.s32 $0x32, s14  }
0x1a: {  	[tilespmem:s2], [sflag:$0x2] =	stream.linear.gather [hbm4b:s15+s2], $0x190, $0x38;
	[tilespmem:$0xCA00] =	vst v63  }
0x1b: {  	p0 =	sne.s32 s14, $0x1838;
	_ =	swait.ge [sflag:s7], $0x190  }
0x1c: {  	[sflag:s7] =	ssyncset.done $0x0  }
0x1d: {  	[sflag:s7] =	ssyncadd.s32 $0xFFFFFE70  }
0x1e: {  	[tilespmem:s9], [sflag:$0x1] =	stream.indirect.gather [hbm4b:s3+s8], $0x80, s2, s8, $0xb8;
	[tilespmem:$0xCA00] =	vst v63  }
0x1f: {  	_ =	swait.ge [sflag:s10], $0xC800  }
.Ltmp0:
0x20: {  	[sflag:s10] =	ssyncset.done $0x0;
	(pc) =	sbr.rel @p0 .LBB2_2-.Ltmp0, $4  }
0x21: {  	[sflag:s10] =	ssyncadd.s32 $0xFFFF3800  }
0x22: {  	[hbm4b:s12+s2] =	stream.linear.scatter [tilespmem:s9], [sflag:$0x2], $0xC800, $0x38;
	[tilespmem:$0xCA00] =	vst v63  }
0x23: {  	_ =	swait.ge [sflag:s7], $0xC800  }
0x24: {  	s14 =	smov.u32 s16;
	s12 =	sadd.s32 $0x1900, s12;
	[sflag:s7] =	ssyncset.done $0x0  }
0x25: {  	s13 =	sadd.s32 s13, s6;
	[sflag:s7] =	ssyncadd.s32 $0xFFFF3800  }
0x26: {  	[tilespmem:s2], [sflag:$0x2] =	stream.linear.gather [hbm4b:s13+s2], $0x190, $0x38;
	[tilespmem:$0xCA00] =	vst v63  }
0x27: {  	_ =	swait.ge [sflag:s7], $0x190  }
0x28: {  	[sflag:s7] =	ssyncset.done $0x0  }
0x29: {  	[sflag:s7] =	ssyncadd.s32 $0xFFFFFE70  }
0x2a: {  	[tilespmem:s9], [sflag:$0x1] =	stream.indirect.gather [hbm4b:s3+s8], $0x80, s2, s8, $0xb8;
	[tilespmem:$0xCA00] =	vst v63  }
0x2b: {  	s11 =	sadd.s32 $0x1, s11;
	_ =	swait.ge [sflag:s10], $0xC800  }
0x2c: {  	p0 =	sne.s32 s11, s4;
	[sflag:s10] =	ssyncset.done $0x0  }
.Ltmp1:
0x2d: {  	[sflag:s10] =	ssyncadd.s32 $0xFFFF3800;
	(pc) =	sbr.rel @p0 .LBB2_1-.Ltmp1, $4  }
0x2e: {  	[hbm4b:s12+s2] =	stream.linear.scatter [tilespmem:s9], [sflag:$0x2], $0xC800, $0x38;
	[tilespmem:$0xCA00] =	vst v63  }
0x2f: {  	_ =	swait.ge [sflag:s7], $0xC800  }
0x30: {  	[sflag:s7] =	ssyncset.done $0x0  }
0x31: {  	[sflag:s7] =	ssyncadd.s32 $0xFFFF3800  }
0x32: {  	_ =	sfence.sel $0x180000  }
0x33: {  	[bflag:$0x0] =	sbarrier.arrive $0xFFFF  }
0x34: {  	p0 =	sne.s32 s0, $0x0;
	_ =	strace $0x90000047  }
0x35: {  	s0 =	sadd.s32 @!p0 $0x100000, s1;
	[bflag:$0x2] =	sbarrier.arrive $0xFFFF  }
0x36: {  	[sflag:s0] =	ssyncadd.tile.s32 @!p0 $0x1;
	_ =	shalt  }
.Lfunc_end2:
_tile_overlayer_lowered:
.L_overlay_start_2:
0x37: {  	(tag) =	ssettag $0x2  }
0x38: {  	s0 =	rddreg [dreg:$0x0];
	s2 =	stileid.u32  }
0x39: {  	s1 =	rddreg [dreg:$0x1];
	p0 =	sne.s32 s2, $0x0  }
0x3a: {  	s3 =	rddreg [dreg:$0x2];
	[bflag:$0x3] =	sbarrier.arrive $0xFFFF;
	s2 =	simm.s32 @!p0 $0x1C02  }
0x3b: {  	[timem:s3], [sflag:s2] =	dma.local @!p0 [hbm:s0], s1  }
0x3c: {  	s0 =	simm.s32 @!p0 $0x2  }
0x3d: {  	_ =	swait.ge @!p0 [sflag:s0], s1  }
0x3e: {  	s1 =	ssub.s32 @!p0 $0x0, s1;
	[sflag:s0] =	ssyncset.done @!p0 $0x0  }
0x3f: {  	[sflag:s0] =	ssyncadd.s32 @!p0 s1  }
0x40: {  	[bflag:$0x3] =	sbarrier.arrive $0xFFFF  }
0x41: {  	_ =	shalt  }

// kernel: kernel.25.cloned.1.call-start
scs
__scs_entry_jumppad:
0x0: {  	(pc) =	sbr.rel $0x88, $3  }
0x1: {  	(tag) =	ssettag $0x0;
	lr =	simm.s32 $0x1  }
0x2: {  	[smem:$0x3F7C] =	sst lr;
	_ =	strace $0xD0000000  }
0x3: {  	_ = 	snop  }
0x4: {  	_ = 	snop  }
0x5: {  	_ = 	snop  }
0x6: {  	_ = 	snop  }
0x7: {  	_ = 	snop  }
__scs_overlays_trampoline_lowered:
0x8: {  	[smem:$0x3F8B] =	sst s0  }
0x9: {  	[smem:$0x3F8C] =	sst s1  }
0xa: {  	[smem:$0x3F8D] =	sst s2  }
0xb: {  	[smem:$0x3F8E] =	sst s3  }
0xc: {  	[smem:$0x3F8F] =	sst s4  }
0xd: {  	[smem:$0x3F90] =	sst s5  }
0xe: {  	[smem:$0x3F91] =	sst s6  }
0xf: {  	[smem:$0x3F92] =	sst s7  }
0x10: {  	[smem:$0x3F93] =	sst s8  }
0x11: {  	[smem:$0x3F94] =	sst s9;
	s0 =	simm.s32 @!p0 $0x0  }
0x12: {  	s1 =	sld [smem:$0x3F7A];
	s0 =	simm.s32 @p0 $0x1  }
0x13: {  	[smem:$0x3F95] =	sst s0;
	s0 =	simm.s32 @!p1 $0x0  }
0x14: {  	s2 =	sld [smem:$0x3F79];
	s0 =	simm.s32 @p1 $0x1  }
0x15: {  	[smem:$0x3F96] =	sst s0;
	s0 =	simm.s32 @!p2 $0x0  }
0x16: {  	s3 =	sld [smem:$0x3FDB];
	s0 =	simm.s32 @p2 $0x1  }
0x17: {  	s4 =	simm.s32 $0x1BF5;
	[smem:$0x3F98] =	sst s0  }
0x18: {  	s0 =	sld [smem:$0x3F7B];
	_ =	swait.ge [sflag:s4], $0x0  }
0x19: {  	s7 =	sld [smem:$0x3F7C]  }
0x1a: {  	s8 =	sadd.s32 $0xFFFFE003, lr  }
0x1b: {  	s9 =	sadd.s32 $0xFFFFFEF7, lr;
	s5 =	simm.s32 $0xFFFFFFFF;
	p2 =	slt.u32 s8, $0xFFFFF086  }
0x1c: {  	p1 =	slt.u32 s9, $0xF7A;
	s5 =	simm.s32 @!p2 $0x0  }
0x1d: {  	s5 =	simm.s32 @p1 $0x1;
	p0 =	seq.s32 s7, s2  }
0x1e: {  	s7 =	smul.u32 @!p0 $0xF7A, s2;
	p2 =	seq.s32 @!p0 s5, $0x0  }
0x1f: {  	s9 =	smul.u32 $0xF7A, s1;
	s8 =	simm.s32 @!p0 $0x1BF5;
	p2 =	por !p2, p0  }
0x20: {  	[sflag:s8] =	ssyncset.s32 @!p0 $0xFFFFF086;
	s6 =	sadd.s32 @!p0 s3, s7;
	s7 =	simm.s32 @!p0 $0x108  }
0x21: {  	s3 =	sadd.s32 s3, s9;
	s6 =	sadd.s32 @!p0 $0x88, s6;
	s7 =	simm.s32 @p2 $0x1082  }
0x22: {  	[simem:s7], [sflag:s8] =	dma.local @!p0 [hbm:s6], $0xF7A  }
0x23: {  	s9 =	sor.u32 $0xD0000000, s2;
	s6 =	simm.s32 $0x108;
	_ =	swait.ge @!p0 [sflag:s8], $0x0  }
0x24: {  	s3 =	sadd.s32 $0x88, s3;
	s6 =	simm.s32 @!p1 $0x1082;
	[sflag:s4] =	ssyncset.s32 $0xFFFFF086  }
0x25: {  	[simem:s6], [sflag:s4] =	dma.local [hbm:s3], $0xF7A  }
0x26: {  	[smem:$0x3F7C] =	sst s1;
	(tag) =	ssettag s2;
	_ =	strace s9  }
0x27: {  	s1 =	sld [smem:$0x3F8C]  }
0x28: {  	s2 =	sld [smem:$0x3F8D]  }
0x29: {  	s4 =	sld [smem:$0x3F8F]  }
0x2a: {  	p0 =	seq.s32 s5, $0x0;
	s5 =	sld [smem:$0x3F90]  }
0x2b: {  	s6 =	sld [smem:$0x3F91]  }
0x2c: {  	s7 =	sld [smem:$0x3F92]  }
0x2d: {  	s3 =	simm.s32 $0x108;
	s8 =	sld [smem:$0x3F93]  }
0x2e: {  	s3 =	simm.s32 @!p0 $0x1082;
	s9 =	sld [smem:$0x3F94]  }
0x2f: {  	lr =	sadd.s32 s0, s3;
	s0 =	sld [smem:$0x3F8B]  }
0x30: {  	s3 =	sld [smem:$0x3F8E]  }
0x31: {  	[smem:$0x3F97] =	sst s10  }
0x32: {  	s10 =	sld [smem:$0x3F95];
	_ =	sdelay $0x3  }
0x33: {  	p0 =	seq.s32 s10, $0x1;
	s10 =	sld [smem:$0x3F97];
	_ =	sdelay $0x3  }
0x34: {  	[smem:$0x3F97] =	sst s10  }
0x35: {  	s10 =	sld [smem:$0x3F96];
	_ =	sdelay $0x3  }
0x36: {  	p1 =	seq.s32 s10, $0x1;
	s10 =	sld [smem:$0x3F97];
	_ =	sdelay $0x3  }
0x37: {  	[smem:$0x3F97] =	sst s10  }
0x38: {  	s10 =	sld [smem:$0x3F98]  }
0x39: {  	_ = 	snop;
	(pc) =	sbr.ind lr, $3  }
0x3a: {  	_ = 	snop  }
0x3b: {  	_ = 	snop  }
0x3c: {  	p2 =	seq.s32 s10, $0x1;
	s10 =	sld [smem:$0x3F97]  }
0x3d: {  	_ =	shalt  }
0x3e: {  	_ =	shalt  }
0x3f: {  	_ =	shalt  }
0x40: {  	_ =	shalt  }
0x41: {  	_ =	shalt  }
0x42: {  	_ =	shalt  }
0x43: {  	_ =	shalt  }
0x44: {  	_ =	shalt  }
0x45: {  	_ =	shalt  }
0x46: {  	_ =	shalt  }
0x47: {  	_ =	shalt  }
0x48: {  	_ =	shalt  }
0x49: {  	_ =	shalt  }
0x4a: {  	_ =	shalt  }
0x4b: {  	_ =	shalt  }
0x4c: {  	_ =	shalt  }
0x4d: {  	_ =	shalt  }
0x4e: {  	_ =	shalt  }
0x4f: {  	_ =	shalt  }
0x50: {  	_ =	shalt  }
0x51: {  	_ =	shalt  }
0x52: {  	_ =	shalt  }
0x53: {  	_ =	shalt  }
0x54: {  	_ =	shalt  }
0x55: {  	_ =	shalt  }
0x56: {  	_ =	shalt  }
0x57: {  	_ =	shalt  }
0x58: {  	_ =	shalt  }
0x59: {  	_ =	shalt  }
0x5a: {  	_ =	shalt  }
0x5b: {  	_ =	shalt  }
0x5c: {  	_ =	shalt  }
0x5d: {  	_ =	shalt  }
0x5e: {  	_ =	shalt  }
0x5f: {  	_ =	shalt  }
0x60: {  	_ =	shalt  }
0x61: {  	_ =	shalt  }
0x62: {  	_ =	shalt  }
0x63: {  	_ =	shalt  }
0x64: {  	_ =	shalt  }
0x65: {  	_ =	shalt  }
0x66: {  	_ =	shalt  }
0x67: {  	_ =	shalt  }
0x68: {  	_ =	shalt  }
0x69: {  	_ =	shalt  }
0x6a: {  	_ =	shalt  }
0x6b: {  	_ =	shalt  }
0x6c: {  	_ =	shalt  }
0x6d: {  	_ =	shalt  }
0x6e: {  	_ =	shalt  }
0x6f: {  	_ =	shalt  }
0x70: {  	_ =	shalt  }
0x71: {  	_ =	shalt  }
0x72: {  	_ =	shalt  }
0x73: {  	_ =	shalt  }
0x74: {  	_ =	shalt  }
0x75: {  	_ =	shalt  }
0x76: {  	_ =	shalt  }
0x77: {  	_ =	shalt  }
0x78: {  	_ =	shalt  }
0x79: {  	_ =	shalt  }
0x7a: {  	_ =	shalt  }
0x7b: {  	_ =	shalt  }
0x7c: {  	_ =	shalt  }
0x7d: {  	_ =	shalt  }
0x7e: {  	_ =	shalt  }
0x7f: {  	_ =	shalt  }
0x80: {  	_ =	shalt  }
0x81: {  	_ =	shalt  }
0x82: {  	_ =	shalt  }
0x83: {  	_ =	shalt  }
0x84: {  	_ =	shalt  }
0x85: {  	_ =	shalt  }
0x86: {  	_ =	shalt  }
0x87: {  	_ =	shalt  }
.Lfunc_end0:
.L_simem_size_0:
called_computation.1_lowered:
.L_overlay_start_0:
0x88: {  	s2 =	sld [smem:$0x3FD9]  }
0x89: {  	s3 =	sld [smem:$0x3FFE];
	_ =	sdelay $0x1  }
0x8a: {  	s1 =	srdreg.scid  }
0x8b: {  	s0 =	sand.u32 $0x1, s1  }
0x8c: {  	s17 =	sshll.u32 s0, $0xA;
	s2 =	sadd.s32 s3, s2  }
0x8d: {  	s2 =	sadd.s32 s2, s17  }
0x8e: {  	[smem:$0x3FA3] =	sst s2  }
0x8f: {  	_ = 	snop  }
0x90: {  	s2 =	sld [smem:$0x3FD0];
	(tm) =	ssettm $0x1  }
0x91: {  	s18 =	sld [smem:$0x3FFB];
	_ =	sdelay $0x3  }
0x92: {  	_ =	strace s18  }
0x93: {  	s3 =	sld [smem:$0x3FFC];
	_ =	sdelay $0x3  }
0x94: {  	_ =	strace s3  }
0x95: {  	s3 =	sld [smem:$0x3FFD];
	_ =	sdelay $0x3  }
0x96: {  	_ =	strace s3  }
0x97: {  	_ =	strace $0x8FFFFFFF  }
0x98: {  	s19 =	sld [smem:$0x3FDB];
	_ =	sdelay $0x1  }
0x99: {  	s4 =	simm.s32 $_scs_section_size  }
0x9a: {  	s5 =	simm.s32 $_size__tile_overlayer_lowered;
	s6 =	simm.s32 $_tile_overlayer_lowered  }
0x9b: {  	s22 =	simm.s32 $0x1BFF;
	s21 =	sshll.u32 s6, $0x1;
	s3 =	sadd.s32 s4, s19  }
0x9c: {  	s7 =	simm.s32 $0x0;
	s20 =	sshll.u32 s5, $0x1;
	s5 =	sadd.s32 s21, s3  }
0x9d: {  	[timem:s7], [sflag:s22] =	dma.local [hbm:s5], s20  }
0x9e: {  	_ =	swait.ge [sflag:s22], s20  }
0x9f: {  	s4 =	ssub.s32 $0x0, s20;
	[sflag:s22] =	ssyncset.done $0x0  }
0xa0: {  	[sflag:s22] =	ssyncadd.s32 s4;
	_ =	sdelay $0x1  }
0xa1: {  	s23 =	simm.s32 $0x1B8B  }
0xa2: {  	_ =	swait.ge [sflag:s23], $0x1  }
0xa3: {  	[sflag:s23] =	ssyncset.done $0x0  }
0xa4: {  	s25 =	simm.s32 $0x1B8E;
	s24 =	sld [smem:$0x3FFE];
	[sflag:s23] =	ssyncadd.s32 $0xFFFFFFFF  }
0xa5: {  	s26 =	simm.s32 $execute0_lowered;
	[smem:$0x3FD2] =	sst s25  }
0xa6: {  	s5 =	sshll.u32 s26, $0x1;
	_ =	strace $0x80000049;
	[dreg:$0x1] =	wrdreg $0xFFFFFFFF  }
0xa7: {  	s28 =	simm.s32 $_size_execute0_lowered;
	s3 =	sadd.s32 s3, s5;
	[dreg:$0x0] =	wrdreg $0x0  }
0xa8: {  	s5 =	sshll.u32 s28, $0x1;
	[dreg:$0x2] =	wrdreg s3  }
0xa9: {  	[dreg:$0x3] =	wrdreg s5  }
0xaa: {  	[dreg:$0x4] =	wrdreg $0xC0  }
0xab: {  	_ =	task [dreg:s7], $0x5FFFF  }
0xac: {  	[dreg:$0x1] =	wrdreg $0xFFFFFFFF  }
0xad: {  	[dreg:$0x0] =	wrdreg $0x60  }
0xae: {  	[dreg:$0x2] =	wrdreg s2  }
0xaf: {  	[dreg:$0x3] =	wrdreg s24  }
0xb0: {  	[dreg:$0x4] =	wrdreg $0x9  }
0xb1: {  	_ =	task.clear_ibuf [dreg:s7], $0x5FFFF;
	_ =	strace $0x90000049  }
0xb2: {  	s29 =	simm.s32 $0x9;
	_ =	strace $0x8000004B  }
0xb3: {  	_ =	swait.ge [sflag:s29], $0x1  }
0xb4: {  	[sflag:s29] =	ssyncadd.s32 $0xFFFFFFFF  }
0xb5: {  	_ =	strace $0x9000004B  }
0xb6: {  	_ =	sfence  }
0xb7: {  	s30 =	sld [smem:$0x0];
	_ =	sdelay $0x2  }
0xb8: {  	s31 =	sshll.u32 s1, $0xD;
	s1 =	sshrl.u32 s1, $0x2  }
0xb9: {  	s3 =	sand.u32 $0x4000, s31;
	s1 =	sadd.s32 s1, s30  }
0xba: {  	s0 =	sor.u32 s3, s0;
	s1 =	sshll.u32 s1, $0x11  }
0xbb: {  	s0 =	sor.u32 s1, s0  }
0xbc: {  	s0 =	sadd.s32 $0x8F2B, s0  }
0xbd: {  	[sflag:s0] =	ssyncadd.remote.s32 $0x1  }
0xbe: {  	_ =	sfence.sel $0xFFFF  }
0xbf: {  	[dreg:$0x0] =	wrdreg $0xFFFFFFFF;
	(pc) =	sbr.abs _section_cstart, $3  }
0xc0: {  	[dreg:$0x1] =	wrdreg $0xFFFFFFFF  }
0xc1: {  	_ =	task.clear_ibuf [dreg:s7], $0x2FFFF;
	_ =	strace $0x9FFFFFFF  }
0xc2: {  	(tm) =	ssettm $0x7FFFFFFF  }
0xc3: {  	_ =	shalt  }
tec
execute0_lowered:
.L_overlay_start_1:
0x0: {  	(tag) =	ssettag $0x1  }
0x1: {  	s6 =	rddreg [dreg:$0x0]  }
0x2: {  	s0 =	stileid.u32;
	s1 =	srdreg.scid  }
0x3: {  	s4 =	rddreg [dreg:$0x1];
	s5 =	smul.u32 $0x186A00, s0  }
0x4: {  	s2 =	simm.s32 $0x0;
	s3 =	sand.u32 $0x1, s1;
	s8 =	smul.u32 $0x186A0, s0  }
0x5: {  	s11 =	simm.s32 $0x0;
	s1 =	rddreg [dreg:$0x2];
	s7 =	smul.u32 $0xC3500, s3  }
0x6: {  	[smem:$0x7FF] =	sst s2;
	s9 =	ssub.s32 $0x2, s3;
	s10 =	smul.u32 $0xC350, s3  }
0x7: {  	s3 =	sadd.s32 $0x5C00, s4;
	s4 =	sadd.s32 s5, s4;
	s30 =	sshrl.u32 s9, $0x1  }
0x8: {  	_ =	strace $0x8000004A;
	s5 =	ssub.s32 s9, s30;
	s7 =	sadd.s32 s7, s4  }
0x9: {  	s8 =	sadd.s32 s10, s8;
	s9 =	simm.s32 $0x200;
	s10 =	simm.s32 $0x1  }
0xa: {  	s4 =	smax.u32 s5, $0x1;
	s5 =	sadd.s32 $0x620A00, s7;
	s31 =	sshrl.u32 s8, $0x3  }
0xb: {  	s7 =	simm.s32 $0x2;
	s8 =	simm.s32 $0x190;
	s6 =	sadd.s32 s31, s6  }
.LBB2_1:
0xc: {  	s12 =	sadd.s32 $0x0, s6  }
0xd: {  	[tilespmem:s2], [sflag:$0x2] =	stream.linear.gather [hbm4b:s12+s2], $0x190, $0x38;
	[tilespmem:$0xCA00] =	vst v63  }
0xe: {  	_ =	swait.ge [sflag:s7], $0x190  }
0xf: {  	[sflag:s7] =	ssyncset.done $0x0  }
0x10: {  	[sflag:s7] =	ssyncadd.s32 $0xFFFFFE70  }
0x11: {  	[tilespmem:s9], [sflag:$0x1] =	stream.indirect.gather [hbm4b:s3+s8], $0x80, s2, s8, $0xb8;
	[tilespmem:$0xCA00] =	vst v63  }
0x12: {  	_ =	swait.ge [sflag:s10], $0xC800  }
0x13: {  	[sflag:s10] =	ssyncset.done $0x0  }
0x14: {  	[sflag:s10] =	ssyncadd.s32 $0xFFFF3800  }
0x15: {  	[hbm4b:s5+s2] =	stream.linear.scatter [tilespmem:s9], [sflag:$0x2], $0xC800, $0x38;
	[tilespmem:$0xCA00] =	vst v63  }
0x16: {  	s13 =	simm.s32 $0x32;
	_ =	swait.ge [sflag:s7], $0xC800  }
0x17: {  	s14 =	simm.s32 $0x64;
	s12 =	sadd.s32 $0x1900, s5;
	[sflag:s7] =	ssyncset.done $0x0  }
.LBB2_2:
0x18: {  	s15 =	sadd.s32 s13, s6  }
0x19: {  	[sflag:s7] =	ssyncadd.s32 $0xFFFF3800;
	s13 =	smov.u32 s14;
	s16 =	sadd.s32 $0x32, s14  }
0x1a: {  	[tilespmem:s2], [sflag:$0x2] =	stream.linear.gather [hbm4b:s15+s2], $0x190, $0x38;
	[tilespmem:$0xCA00] =	vst v63  }
0x1b: {  	p0 =	sne.s32 s14, $0x1838;
	_ =	swait.ge [sflag:s7], $0x190  }
0x1c: {  	[sflag:s7] =	ssyncset.done $0x0  }
0x1d: {  	[sflag:s7] =	ssyncadd.s32 $0xFFFFFE70  }
0x1e: {  	[tilespmem:s9], [sflag:$0x1] =	stream.indirect.gather [hbm4b:s3+s8], $0x80, s2, s8, $0xb8;
	[tilespmem:$0xCA00] =	vst v63  }
0x1f: {  	_ =	swait.ge [sflag:s10], $0xC800  }
.Ltmp0:
0x20: {  	[sflag:s10] =	ssyncset.done $0x0;
	(pc) =	sbr.rel @p0 .LBB2_2-.Ltmp0, $4  }
0x21: {  	[sflag:s10] =	ssyncadd.s32 $0xFFFF3800  }
0x22: {  	[hbm4b:s12+s2] =	stream.linear.scatter [tilespmem:s9], [sflag:$0x2], $0xC800, $0x38;
	[tilespmem:$0xCA00] =	vst v63  }
0x23: {  	_ =	swait.ge [sflag:s7], $0xC800  }
0x24: {  	s14 =	smov.u32 s16;
	s12 =	sadd.s32 $0x1900, s12;
	[sflag:s7] =	ssyncset.done $0x0  }
0x25: {  	s13 =	sadd.s32 s13, s6;
	[sflag:s7] =	ssyncadd.s32 $0xFFFF3800  }
0x26: {  	[tilespmem:s2], [sflag:$0x2] =	stream.linear.gather [hbm4b:s13+s2], $0x190, $0x38;
	[tilespmem:$0xCA00] =	vst v63  }
0x27: {  	_ =	swait.ge [sflag:s7], $0x190  }
0x28: {  	[sflag:s7] =	ssyncset.done $0x0  }
0x29: {  	[sflag:s7] =	ssyncadd.s32 $0xFFFFFE70  }
0x2a: {  	[tilespmem:s9], [sflag:$0x1] =	stream.indirect.gather [hbm4b:s3+s8], $0x80, s2, s8, $0xb8;
	[tilespmem:$0xCA00] =	vst v63  }
0x2b: {  	s11 =	sadd.s32 $0x1, s11;
	_ =	swait.ge [sflag:s10], $0xC800  }
0x2c: {  	p0 =	sne.s32 s11, s4;
	[sflag:s10] =	ssyncset.done $0x0  }
.Ltmp1:
0x2d: {  	[sflag:s10] =	ssyncadd.s32 $0xFFFF3800;
	(pc) =	sbr.rel @p0 .LBB2_1-.Ltmp1, $4  }
0x2e: {  	[hbm4b:s12+s2] =	stream.linear.scatter [tilespmem:s9], [sflag:$0x2], $0xC800, $0x38;
	[tilespmem:$0xCA00] =	vst v63  }
0x2f: {  	_ =	swait.ge [sflag:s7], $0xC800  }
0x30: {  	[sflag:s7] =	ssyncset.done $0x0  }
0x31: {  	[sflag:s7] =	ssyncadd.s32 $0xFFFF3800  }
0x32: {  	_ =	sfence.sel $0x180000  }
0x33: {  	[bflag:$0x0] =	sbarrier.arrive $0xFFFF  }
0x34: {  	p0 =	sne.s32 s0, $0x0;
	_ =	strace $0x9000004A  }
0x35: {  	s0 =	sadd.s32 @!p0 $0x100000, s1;
	[bflag:$0x2] =	sbarrier.arrive $0xFFFF  }
0x36: {  	[sflag:s0] =	ssyncadd.tile.s32 @!p0 $0x1;
	_ =	shalt  }
.Lfunc_end2:
_tile_overlayer_lowered:
.L_overlay_start_2:
0x37: {  	(tag) =	ssettag $0x2  }
0x38: {  	s0 =	rddreg [dreg:$0x0];
	s2 =	stileid.u32  }
0x39: {  	s1 =	rddreg [dreg:$0x1];
	p0 =	sne.s32 s2, $0x0  }
0x3a: {  	s3 =	rddreg [dreg:$0x2];
	[bflag:$0x3] =	sbarrier.arrive $0xFFFF;
	s2 =	simm.s32 @!p0 $0x1C02  }
0x3b: {  	[timem:s3], [sflag:s2] =	dma.local @!p0 [hbm:s0], s1  }
0x3c: {  	s0 =	simm.s32 @!p0 $0x2  }
0x3d: {  	_ =	swait.ge @!p0 [sflag:s0], s1  }
0x3e: {  	s1 =	ssub.s32 @!p0 $0x0, s1;
	[sflag:s0] =	ssyncset.done @!p0 $0x0  }
0x3f: {  	[sflag:s0] =	ssyncadd.s32 @!p0 s1  }
0x40: {  	[bflag:$0x3] =	sbarrier.arrive $0xFFFF  }
0x41: {  	_ =	shalt  }

</sc_bundles>
